<compile_context>
chip_gen: v7x
topology: tpu7x:2x2x1
jax: 0.10.2.dev20260603
libtpu: 0.0.44.dev20260713+nightly
codegen_flags: <defaults>
</compile_context>

<pallas_src>
import functools

import jax
import jax.numpy as jnp
from jax import lax
from jax.experimental import pallas as pl
from jax.experimental.pallas import tpu as pltpu
from jax.experimental.pallas import tpu_sc as plsc

VOCAB = 30522
DIM = 768
B = 1024
L = 200

NC = 2
NS = 16
NW = NC * NS

N = B * L
PER_W = N // NW
CHUNK = 32
NCHUNK = PER_W // CHUNK
NBUF = 4


def _make_kernel():
    mesh = plsc.VectorSubcoreMesh(
        core_axis_name="c", subcore_axis_name="s", num_cores=NC, num_subcores=NS
    )

    @functools.partial(
        pl.kernel,
        mesh=mesh,
        out_type=jax.ShapeDtypeStruct((N, DIM), jnp.float32),
        scratch_types=[
            pltpu.VMEM((NCHUNK, CHUNK), jnp.int32),
            *[pltpu.VMEM((CHUNK, DIM), jnp.float32) for _ in range(NBUF)],
            *[pltpu.SemaphoreType.DMA for _ in range(2 * NBUF)],
        ],
    )
    def gather_kernel(table_hbm, idx_hbm, out_hbm, idx_v, *rest):
        bufs = rest[:NBUF]
        g_sems = rest[NBUF : 2 * NBUF]
        o_sems = rest[2 * NBUF :]

        wid = lax.axis_index("s") * NC + lax.axis_index("c")
        base = wid * PER_W

        pltpu.sync_copy(idx_hbm.at[wid], idx_v)

        def start_gather(g, b):
            pltpu.make_async_copy(
                table_hbm.at[idx_v.at[g]], bufs[b], g_sems[b]
            ).start()

        def wait_gather(g, b):
            pltpu.make_async_copy(
                table_hbm.at[idx_v.at[g]], bufs[b], g_sems[b]
            ).wait()

        def start_out(g, b):
            pltpu.make_async_copy(
                bufs[b], out_hbm.at[pl.ds(base + g * CHUNK, CHUNK)], o_sems[b]
            ).start()

        def wait_out(g, b):
            pltpu.make_async_copy(
                bufs[b], out_hbm.at[pl.ds(base + g * CHUNK, CHUNK)], o_sems[b]
            ).wait()

        @pl.when(wid % 2 == 0)
        def _diag():
            for b in range(NBUF):
                start_gather(b, b)

            def dbody(t, carry):
                for b in range(NBUF):
                    g = NBUF * t + b
                    wait_gather(lax.rem(g, NCHUNK), b)
                    start_gather(lax.rem(g + NBUF, NCHUNK), b)
                return carry

            lax.fori_loop(0, 2 * (NCHUNK // NBUF) - 1, dbody, 0, unroll=False)

            for b in range(NBUF):
                g = NCHUNK - NBUF + b
                wait_gather(g, b)
                start_out(g, b)
            for b in range(NBUF):
                g = NCHUNK - NBUF + b
                wait_out(g, b)

    return gather_kernel


_gather = _make_kernel()


@jax.jit
def kernel(channel_seq, table):
    idx3 = channel_seq.astype(jnp.int32).reshape(NW, NCHUNK, CHUNK)
    out = _gather(table, idx3)
    return out.reshape(B, L, DIM)

# --- scband reference (transcript-rebuilt; emitter-appended) ---
"""Pipeline reference for scband-detached-text-embeddings-pretrain-50654844289058 (READ-ONLY COPY).

The authoritative reference and input builder live on the scoring server;
editing this copy changes nothing except your own understanding.
"""

import jax, jax.numpy as jnp
import numpy as np

VOCAB = 30522
DIM = 768
B = 1024
L = 200

def setup_inputs(seed: int = 0) -> dict:
    key = jax.random.key(seed)
    k_idx, k_tab = jax.random.split(key)
    channel_seq = jax.random.randint(k_idx, (B, L), 0, VOCAB, dtype=jnp.int64 if jax.config.jax_enable_x64 else jnp.int32)
    table = jax.random.normal(k_tab, (VOCAB, DIM), dtype=jnp.float32) * 0.02
    return {"channel_seq": channel_seq, "table": table}

def reference(channel_seq, table):
    # DetachedTextEmbeddingsPretrain.forward: plain embedding lookup into a
    # (frozen) BERT word-embedding table, performed on the table's device.
    return jnp.take(table, channel_seq, axis=0)

if __name__ == "__main__":
    import jax
    _d = setup_inputs()
    print(jax.jit(kernel)(*tuple(_d.values())))

</pallas_src>

<mosaic_0001>
#map = affine_map<(d0, d1) -> (0, 0)>
#map1 = affine_map<(d0, d1) -> (0, 0, 0)>
module attributes {stable_mosaic.version = 14 : i64} {
  func.func @gather_kernel(%arg0: i32, %arg1: i32, %arg2: memref<30522x768xf32, #tpu.memory_space<hbm>>, %arg3: memref<32x200x32xi32, #tpu.memory_space<hbm>>, %arg4: memref<204800x768xf32, #tpu.memory_space<hbm>>, %arg5: memref<200x32xi32, #tpu.memory_space<vmem>>, %arg6: memref<32x768xf32, #tpu.memory_space<vmem>>, %arg7: memref<32x768xf32, #tpu.memory_space<vmem>>, %arg8: memref<32x768xf32, #tpu.memory_space<vmem>>, %arg9: memref<32x768xf32, #tpu.memory_space<vmem>>, %arg10: memref<!tpu.dma_semaphore, #tpu.memory_space<semaphore_mem>>, %arg11: memref<!tpu.dma_semaphore, #tpu.memory_space<semaphore_mem>>, %arg12: memref<!tpu.dma_semaphore, #tpu.memory_space<semaphore_mem>>, %arg13: memref<!tpu.dma_semaphore, #tpu.memory_space<semaphore_mem>>, %arg14: memref<!tpu.dma_semaphore, #tpu.memory_space<semaphore_mem>>, %arg15: memref<!tpu.dma_semaphore, #tpu.memory_space<semaphore_mem>>, %arg16: memref<!tpu.dma_semaphore, #tpu.memory_space<semaphore_mem>>, %arg17: memref<!tpu.dma_semaphore, #tpu.memory_space<semaphore_mem>>) attributes {dimension_semantics = [#tpu.dimension_semantics<core_parallel>, #tpu.dimension_semantics<subcore_parallel>], iteration_bounds = array<i64: 2, 16>, scalar_prefetch = 0 : i64, scratch_operands = 13 : i64, tpu.core_type = #tpu.core_type<sc_vector_subcore>, window_params = [{transform_indices = #map}, {transform_indices = #map1}, {transform_indices = #map}]} {
    %mul3A = arith.constant 2 : i32
    %mul3A_0 = arith.muli %arg1, %mul3A : i32
    %add3A = arith.addi %mul3A_0, %arg0 : i32
    %mul3A_1 = arith.constant 6400 : i32
    %mul3A_2 = arith.muli %add3A, %mul3A_1 : i32
    "tpu.region"() ({
      %run_scoped3A = tpu.sem_alloc : memref<!tpu.dma_semaphore, #tpu.memory_space<semaphore_mem>>
      %dma_start3A = arith.constant 0 : i32
      %dma_start3A_15 = arith.constant 0 : i32
      %dma_start3A_16 = tpu.memref_slice %arg3[%add3A, %dma_start3A, %dma_start3A_15] : memref<32x200x32xi32, #tpu.memory_space<hbm>> -> memref<1x200x32xi32, #tpu.memory_space<hbm>>
      %dma_start3A_17 = tpu.memref_squeeze %dma_start3A_16 : memref<1x200x32xi32, #tpu.memory_space<hbm>> -> memref<200x32xi32, #tpu.memory_space<hbm>>
      %dma_start3A_18 = arith.constant 0 : i32
      %dma_start3A_19 = arith.constant 0 : i32
      %dma_start3A_20 = tpu.memref_slice %arg3[%add3A, %dma_start3A_18, %dma_start3A_19] : memref<32x200x32xi32, #tpu.memory_space<hbm>> -> memref<1x200x32xi32, #tpu.memory_space<hbm>>
      %dma_start3A_21 = tpu.memref_squeeze %dma_start3A_20 : memref<1x200x32xi32, #tpu.memory_space<hbm>> -> memref<200x32xi32, #tpu.memory_space<hbm>>
      tpu.enqueue_dma source(%dma_start3A_21 : memref<200x32xi32, #tpu.memory_space<hbm>>) target(%arg5 : memref<200x32xi32, #tpu.memory_space<vmem>>) target_semaphore(%run_scoped3A : memref<!tpu.dma_semaphore, #tpu.memory_space<semaphore_mem>>)
      %dma_wait3A = arith.constant 0 : i32
      %dma_wait3A_22 = arith.constant 0 : i32
      %dma_wait3A_23 = tpu.memref_slice %arg3[%add3A, %dma_wait3A, %dma_wait3A_22] : memref<32x200x32xi32, #tpu.memory_space<hbm>> -> memref<1x200x32xi32, #tpu.memory_space<hbm>>
      %dma_wait3A_24 = tpu.memref_squeeze %dma_wait3A_23 : memref<1x200x32xi32, #tpu.memory_space<hbm>> -> memref<200x32xi32, #tpu.memory_space<hbm>>
      %dma_wait3A_25 = arith.constant 0 : i32
      %dma_wait3A_26 = arith.constant 0 : i32
      %dma_wait3A_27 = tpu.memref_slice %arg3[%add3A, %dma_wait3A_25, %dma_wait3A_26] : memref<32x200x32xi32, #tpu.memory_space<hbm>> -> memref<1x200x32xi32, #tpu.memory_space<hbm>>
      %dma_wait3A_28 = tpu.memref_squeeze %dma_wait3A_27 : memref<1x200x32xi32, #tpu.memory_space<hbm>> -> memref<200x32xi32, #tpu.memory_space<hbm>>
      tpu.wait_dma2 semaphore(%run_scoped3A : memref<!tpu.dma_semaphore, #tpu.memory_space<semaphore_mem>>) src(%dma_wait3A_28 : memref<200x32xi32, #tpu.memory_space<hbm>>) dst(%arg5 : memref<200x32xi32, #tpu.memory_space<vmem>>)
      tpu.yield
    }) : () -> ()
    %jit3A = arith.constant 2 : i32
    %eq3A = arith.constant 0 : i32
    %eq3A_3 = arith.cmpi eq, %jit3A, %eq3A : i32
    %jit3A_4 = arith.constant 1 : i32
    %select_n3A = arith.select %eq3A_3, %jit3A_4, %jit3A : i32
    %rem3A = arith.remsi %add3A, %select_n3A : i32
    %ne3A = arith.constant 0 : i32
    %ne3A_5 = arith.cmpi ne, %rem3A, %ne3A : i32
    %lt3A = arith.constant 0 : i32
    %lt3A_6 = arith.cmpi slt, %rem3A, %lt3A : i32
    %lt3A_7 = arith.constant 0 : i32
    %lt3A_8 = arith.cmpi slt, %select_n3A, %lt3A_7 : i32
    %ne3A_9 = arith.xori %lt3A_6, %lt3A_8 : i1
    %and3A = arith.andi %ne3A_9, %ne3A_5 : i1
    %add3A_10 = arith.addi %rem3A, %select_n3A : i32
    %select_n3A_11 = arith.select %and3A, %add3A_10, %rem3A : i32
    %eq3A_12 = arith.constant 0 : i32
    %eq3A_13 = arith.cmpi eq, %select_n3A_11, %eq3A_12 : i32
    %convert_element_type3A = arith.extui %eq3A_13 : i1 to i32
    %cond3A = arith.constant 0 : i32
    %cond3A_14 = arith.cmpi ne, %convert_element_type3A, %cond3A : i32
    scf.if %cond3A_14 {
      %dma_start3A = arith.constant 0 : i32
      %dma_start3A_15 = arith.constant 0 : i32
      %dma_start3A_16 = tpu.memref_slice %arg5[%dma_start3A, %dma_start3A_15] : memref<200x32xi32, #tpu.memory_space<vmem>> -> memref<1x32xi32, #tpu.memory_space<vmem>>
      %dma_start3A_17 = tpu.memref_squeeze %dma_start3A_16 : memref<1x32xi32, #tpu.memory_space<vmem>> -> memref<32xi32, #tpu.memory_space<vmem>>
      %dma_start3A_18 = arith.constant 0 : i32
      %dma_start3A_19 = arith.constant 0 : i32
      %dma_start3A_20 = tpu.memref_slice %arg2[%dma_start3A_18, %dma_start3A_19] : memref<30522x768xf32, #tpu.memory_space<hbm>> -> memref<30522x768xf32, #tpu.memory_space<hbm>>
      tpu.enqueue_indirect_dma source(%dma_start3A_20 : memref<30522x768xf32, #tpu.memory_space<hbm>>) target(%arg6 : memref<32x768xf32, #tpu.memory_space<vmem>>) offsets(%dma_start3A_17 : memref<32xi32, #tpu.memory_space<vmem>>) semaphore(%arg10 : memref<!tpu.dma_semaphore, #tpu.memory_space<semaphore_mem>>)
      %dma_start3A_21 = arith.constant 1 : i32
      %dma_start3A_22 = arith.constant 0 : i32
      %dma_start3A_23 = tpu.memref_slice %arg5[%dma_start3A_21, %dma_start3A_22] : memref<200x32xi32, #tpu.memory_space<vmem>> -> memref<1x32xi32, #tpu.memory_space<vmem>>
      %dma_start3A_24 = tpu.memref_squeeze %dma_start3A_23 : memref<1x32xi32, #tpu.memory_space<vmem>> -> memref<32xi32, #tpu.memory_space<vmem>>
      %dma_start3A_25 = arith.constant 0 : i32
      %dma_start3A_26 = arith.constant 0 : i32
      %dma_start3A_27 = tpu.memref_slice %arg2[%dma_start3A_25, %dma_start3A_26] : memref<30522x768xf32, #tpu.memory_space<hbm>> -> memref<30522x768xf32, #tpu.memory_space<hbm>>
      tpu.enqueue_indirect_dma source(%dma_start3A_27 : memref<30522x768xf32, #tpu.memory_space<hbm>>) target(%arg7 : memref<32x768xf32, #tpu.memory_space<vmem>>) offsets(%dma_start3A_24 : memref<32xi32, #tpu.memory_space<vmem>>) semaphore(%arg11 : memref<!tpu.dma_semaphore, #tpu.memory_space<semaphore_mem>>)
      %dma_start3A_28 = arith.constant 2 : i32
      %dma_start3A_29 = arith.constant 0 : i32
      %dma_start3A_30 = tpu.memref_slice %arg5[%dma_start3A_28, %dma_start3A_29] : memref<200x32xi32, #tpu.memory_space<vmem>> -> memref<1x32xi32, #tpu.memory_space<vmem>>
      %dma_start3A_31 = tpu.memref_squeeze %dma_start3A_30 : memref<1x32xi32, #tpu.memory_space<vmem>> -> memref<32xi32, #tpu.memory_space<vmem>>
      %dma_start3A_32 = arith.constant 0 : i32
      %dma_start3A_33 = arith.constant 0 : i32
      %dma_start3A_34 = tpu.memref_slice %arg2[%dma_start3A_32, %dma_start3A_33] : memref<30522x768xf32, #tpu.memory_space<hbm>> -> memref<30522x768xf32, #tpu.memory_space<hbm>>
      tpu.enqueue_indirect_dma source(%dma_start3A_34 : memref<30522x768xf32, #tpu.memory_space<hbm>>) target(%arg8 : memref<32x768xf32, #tpu.memory_space<vmem>>) offsets(%dma_start3A_31 : memref<32xi32, #tpu.memory_space<vmem>>) semaphore(%arg12 : memref<!tpu.dma_semaphore, #tpu.memory_space<semaphore_mem>>)
      %dma_start3A_35 = arith.constant 3 : i32
      %dma_start3A_36 = arith.constant 0 : i32
      %dma_start3A_37 = tpu.memref_slice %arg5[%dma_start3A_35, %dma_start3A_36] : memref<200x32xi32, #tpu.memory_space<vmem>> -> memref<1x32xi32, #tpu.memory_space<vmem>>
      %dma_start3A_38 = tpu.memref_squeeze %dma_start3A_37 : memref<1x32xi32, #tpu.memory_space<vmem>> -> memref<32xi32, #tpu.memory_space<vmem>>
      %dma_start3A_39 = arith.constant 0 : i32
      %dma_start3A_40 = arith.constant 0 : i32
      %dma_start3A_41 = tpu.memref_slice %arg2[%dma_start3A_39, %dma_start3A_40] : memref<30522x768xf32, #tpu.memory_space<hbm>> -> memref<30522x768xf32, #tpu.memory_space<hbm>>
      tpu.enqueue_indirect_dma source(%dma_start3A_41 : memref<30522x768xf32, #tpu.memory_space<hbm>>) target(%arg9 : memref<32x768xf32, #tpu.memory_space<vmem>>) offsets(%dma_start3A_38 : memref<32xi32, #tpu.memory_space<vmem>>) semaphore(%arg13 : memref<!tpu.dma_semaphore, #tpu.memory_space<semaphore_mem>>)
      %scan3A = arith.constant 0 : i32
      %scan3A_42 = arith.constant 0 : i32
      %scan3A_43 = arith.constant 99 : i32
      %scan3A_44 = arith.addi %scan3A_42, %scan3A_43 : i32
      %scan3A_45 = arith.constant 1 : i32
      scf.for %scan3A_122 = %scan3A_42 to %scan3A_44 step %scan3A_45  : i32 {
        %mul3A_123 = arith.constant 4 : i32
        %mul3A_124 = arith.muli %mul3A_123, %scan3A_122 : i32
        %add3A_125 = arith.constant 0 : i32
        %add3A_126 = arith.addi %mul3A_124, %add3A_125 : i32
        %rem3A_127 = arith.constant 200 : i32
        %rem3A_128 = arith.remsi %add3A_126, %rem3A_127 : i32
        %dma_wait3A_129 = arith.constant 0 : i32
        %dma_wait3A_130 = tpu.memref_slice %arg5[%rem3A_128, %dma_wait3A_129] : memref<200x32xi32, #tpu.memory_space<vmem>> -> memref<1x32xi32, #tpu.memory_space<vmem>>
        %dma_wait3A_131 = tpu.memref_squeeze %dma_wait3A_130 : memref<1x32xi32, #tpu.memory_space<vmem>> -> memref<32xi32, #tpu.memory_space<vmem>>
        %dma_wait3A_132 = arith.constant 0 : i32
        %dma_wait3A_133 = arith.constant 0 : i32
        %dma_wait3A_134 = tpu.memref_slice %arg2[%dma_wait3A_132, %dma_wait3A_133] : memref<30522x768xf32, #tpu.memory_space<hbm>> -> memref<30522x768xf32, #tpu.memory_space<hbm>>
        tpu.wait_indirect_dma semaphore(%arg10 : memref<!tpu.dma_semaphore, #tpu.memory_space<semaphore_mem>>) src(%dma_wait3A_134 : memref<30522x768xf32, #tpu.memory_space<hbm>>) dst(%arg6 : memref<32x768xf32, #tpu.memory_space<vmem>>)
        %add3A_135 = arith.constant 4 : i32
        %add3A_136 = arith.addi %add3A_126, %add3A_135 : i32
        %rem3A_137 = arith.constant 200 : i32
        %rem3A_138 = arith.remsi %add3A_136, %rem3A_137 : i32
        %dma_start3A_139 = arith.constant 0 : i32
        %dma_start3A_140 = tpu.memref_slice %arg5[%rem3A_138, %dma_start3A_139] : memref<200x32xi32, #tpu.memory_space<vmem>> -> memref<1x32xi32, #tpu.memory_space<vmem>>
        %dma_start3A_141 = tpu.memref_squeeze %dma_start3A_140 : memref<1x32xi32, #tpu.memory_space<vmem>> -> memref<32xi32, #tpu.memory_space<vmem>>
        %dma_start3A_142 = arith.constant 0 : i32
        %dma_start3A_143 = arith.constant 0 : i32
        %dma_start3A_144 = tpu.memref_slice %arg2[%dma_start3A_142, %dma_start3A_143] : memref<30522x768xf32, #tpu.memory_space<hbm>> -> memref<30522x768xf32, #tpu.memory_space<hbm>>
        tpu.enqueue_indirect_dma source(%dma_start3A_144 : memref<30522x768xf32, #tpu.memory_space<hbm>>) target(%arg6 : memref<32x768xf32, #tpu.memory_space<vmem>>) offsets(%dma_start3A_141 : memref<32xi32, #tpu.memory_space<vmem>>) semaphore(%arg10 : memref<!tpu.dma_semaphore, #tpu.memory_space<semaphore_mem>>)
        %mul3A_145 = arith.constant 4 : i32
        %mul3A_146 = arith.muli %mul3A_145, %scan3A_122 : i32
        %add3A_147 = arith.constant 1 : i32
        %add3A_148 = arith.addi %mul3A_146, %add3A_147 : i32
        %rem3A_149 = arith.constant 200 : i32
        %rem3A_150 = arith.remsi %add3A_148, %rem3A_149 : i32
        %dma_wait3A_151 = arith.constant 0 : i32
        %dma_wait3A_152 = tpu.memref_slice %arg5[%rem3A_150, %dma_wait3A_151] : memref<200x32xi32, #tpu.memory_space<vmem>> -> memref<1x32xi32, #tpu.memory_space<vmem>>
        %dma_wait3A_153 = tpu.memref_squeeze %dma_wait3A_152 : memref<1x32xi32, #tpu.memory_space<vmem>> -> memref<32xi32, #tpu.memory_space<vmem>>
        %dma_wait3A_154 = arith.constant 0 : i32
        %dma_wait3A_155 = arith.constant 0 : i32
        %dma_wait3A_156 = tpu.memref_slice %arg2[%dma_wait3A_154, %dma_wait3A_155] : memref<30522x768xf32, #tpu.memory_space<hbm>> -> memref<30522x768xf32, #tpu.memory_space<hbm>>
        tpu.wait_indirect_dma semaphore(%arg11 : memref<!tpu.dma_semaphore, #tpu.memory_space<semaphore_mem>>) src(%dma_wait3A_156 : memref<30522x768xf32, #tpu.memory_space<hbm>>) dst(%arg7 : memref<32x768xf32, #tpu.memory_space<vmem>>)
        %add3A_157 = arith.constant 4 : i32
        %add3A_158 = arith.addi %add3A_148, %add3A_157 : i32
        %rem3A_159 = arith.constant 200 : i32
        %rem3A_160 = arith.remsi %add3A_158, %rem3A_159 : i32
        %dma_start3A_161 = arith.constant 0 : i32
        %dma_start3A_162 = tpu.memref_slice %arg5[%rem3A_160, %dma_start3A_161] : memref<200x32xi32, #tpu.memory_space<vmem>> -> memref<1x32xi32, #tpu.memory_space<vmem>>
        %dma_start3A_163 = tpu.memref_squeeze %dma_start3A_162 : memref<1x32xi32, #tpu.memory_space<vmem>> -> memref<32xi32, #tpu.memory_space<vmem>>
        %dma_start3A_164 = arith.constant 0 : i32
        %dma_start3A_165 = arith.constant 0 : i32
        %dma_start3A_166 = tpu.memref_slice %arg2[%dma_start3A_164, %dma_start3A_165] : memref<30522x768xf32, #tpu.memory_space<hbm>> -> memref<30522x768xf32, #tpu.memory_space<hbm>>
        tpu.enqueue_indirect_dma source(%dma_start3A_166 : memref<30522x768xf32, #tpu.memory_space<hbm>>) target(%arg7 : memref<32x768xf32, #tpu.memory_space<vmem>>) offsets(%dma_start3A_163 : memref<32xi32, #tpu.memory_space<vmem>>) semaphore(%arg11 : memref<!tpu.dma_semaphore, #tpu.memory_space<semaphore_mem>>)
        %mul3A_167 = arith.constant 4 : i32
        %mul3A_168 = arith.muli %mul3A_167, %scan3A_122 : i32
        %add3A_169 = arith.constant 2 : i32
        %add3A_170 = arith.addi %mul3A_168, %add3A_169 : i32
        %rem3A_171 = arith.constant 200 : i32
        %rem3A_172 = arith.remsi %add3A_170, %rem3A_171 : i32
        %dma_wait3A_173 = arith.constant 0 : i32
        %dma_wait3A_174 = tpu.memref_slice %arg5[%rem3A_172, %dma_wait3A_173] : memref<200x32xi32, #tpu.memory_space<vmem>> -> memref<1x32xi32, #tpu.memory_space<vmem>>
        %dma_wait3A_175 = tpu.memref_squeeze %dma_wait3A_174 : memref<1x32xi32, #tpu.memory_space<vmem>> -> memref<32xi32, #tpu.memory_space<vmem>>
        %dma_wait3A_176 = arith.constant 0 : i32
        %dma_wait3A_177 = arith.constant 0 : i32
        %dma_wait3A_178 = tpu.memref_slice %arg2[%dma_wait3A_176, %dma_wait3A_177] : memref<30522x768xf32, #tpu.memory_space<hbm>> -> memref<30522x768xf32, #tpu.memory_space<hbm>>
        tpu.wait_indirect_dma semaphore(%arg12 : memref<!tpu.dma_semaphore, #tpu.memory_space<semaphore_mem>>) src(%dma_wait3A_178 : memref<30522x768xf32, #tpu.memory_space<hbm>>) dst(%arg8 : memref<32x768xf32, #tpu.memory_space<vmem>>)
        %add3A_179 = arith.constant 4 : i32
        %add3A_180 = arith.addi %add3A_170, %add3A_179 : i32
        %rem3A_181 = arith.constant 200 : i32
        %rem3A_182 = arith.remsi %add3A_180, %rem3A_181 : i32
        %dma_start3A_183 = arith.constant 0 : i32
        %dma_start3A_184 = tpu.memref_slice %arg5[%rem3A_182, %dma_start3A_183] : memref<200x32xi32, #tpu.memory_space<vmem>> -> memref<1x32xi32, #tpu.memory_space<vmem>>
        %dma_start3A_185 = tpu.memref_squeeze %dma_start3A_184 : memref<1x32xi32, #tpu.memory_space<vmem>> -> memref<32xi32, #tpu.memory_space<vmem>>
        %dma_start3A_186 = arith.constant 0 : i32
        %dma_start3A_187 = arith.constant 0 : i32
        %dma_start3A_188 = tpu.memref_slice %arg2[%dma_start3A_186, %dma_start3A_187] : memref<30522x768xf32, #tpu.memory_space<hbm>> -> memref<30522x768xf32, #tpu.memory_space<hbm>>
        tpu.enqueue_indirect_dma source(%dma_start3A_188 : memref<30522x768xf32, #tpu.memory_space<hbm>>) target(%arg8 : memref<32x768xf32, #tpu.memory_space<vmem>>) offsets(%dma_start3A_185 : memref<32xi32, #tpu.memory_space<vmem>>) semaphore(%arg12 : memref<!tpu.dma_semaphore, #tpu.memory_space<semaphore_mem>>)
        %mul3A_189 = arith.constant 4 : i32
        %mul3A_190 = arith.muli %mul3A_189, %scan3A_122 : i32
        %add3A_191 = arith.constant 3 : i32
        %add3A_192 = arith.addi %mul3A_190, %add3A_191 : i32
        %rem3A_193 = arith.constant 200 : i32
        %rem3A_194 = arith.remsi %add3A_192, %rem3A_193 : i32
        %dma_wait3A_195 = arith.constant 0 : i32
        %dma_wait3A_196 = tpu.memref_slice %arg5[%rem3A_194, %dma_wait3A_195] : memref<200x32xi32, #tpu.memory_space<vmem>> -> memref<1x32xi32, #tpu.memory_space<vmem>>
        %dma_wait3A_197 = tpu.memref_squeeze %dma_wait3A_196 : memref<1x32xi32, #tpu.memory_space<vmem>> -> memref<32xi32, #tpu.memory_space<vmem>>
        %dma_wait3A_198 = arith.constant 0 : i32
        %dma_wait3A_199 = arith.constant 0 : i32
        %dma_wait3A_200 = tpu.memref_slice %arg2[%dma_wait3A_198, %dma_wait3A_199] : memref<30522x768xf32, #tpu.memory_space<hbm>> -> memref<30522x768xf32, #tpu.memory_space<hbm>>
        tpu.wait_indirect_dma semaphore(%arg13 : memref<!tpu.dma_semaphore, #tpu.memory_space<semaphore_mem>>) src(%dma_wait3A_200 : memref<30522x768xf32, #tpu.memory_space<hbm>>) dst(%arg9 : memref<32x768xf32, #tpu.memory_space<vmem>>)
        %add3A_201 = arith.constant 4 : i32
        %add3A_202 = arith.addi %add3A_192, %add3A_201 : i32
        %rem3A_203 = arith.constant 200 : i32
        %rem3A_204 = arith.remsi %add3A_202, %rem3A_203 : i32
        %dma_start3A_205 = arith.constant 0 : i32
        %dma_start3A_206 = tpu.memref_slice %arg5[%rem3A_204, %dma_start3A_205] : memref<200x32xi32, #tpu.memory_space<vmem>> -> memref<1x32xi32, #tpu.memory_space<vmem>>
        %dma_start3A_207 = tpu.memref_squeeze %dma_start3A_206 : memref<1x32xi32, #tpu.memory_space<vmem>> -> memref<32xi32, #tpu.memory_space<vmem>>
        %dma_start3A_208 = arith.constant 0 : i32
        %dma_start3A_209 = arith.constant 0 : i32
        %dma_start3A_210 = tpu.memref_slice %arg2[%dma_start3A_208, %dma_start3A_209] : memref<30522x768xf32, #tpu.memory_space<hbm>> -> memref<30522x768xf32, #tpu.memory_space<hbm>>
        tpu.enqueue_indirect_dma source(%dma_start3A_210 : memref<30522x768xf32, #tpu.memory_space<hbm>>) target(%arg9 : memref<32x768xf32, #tpu.memory_space<vmem>>) offsets(%dma_start3A_207 : memref<32xi32, #tpu.memory_space<vmem>>) semaphore(%arg13 : memref<!tpu.dma_semaphore, #tpu.memory_space<semaphore_mem>>)
      }
      %scan3A_46 = arith.constant 99 : i32
      %dma_wait3A = arith.constant 196 : i32
      %dma_wait3A_47 = arith.constant 0 : i32
      %dma_wait3A_48 = tpu.memref_slice %arg5[%dma_wait3A, %dma_wait3A_47] : memref<200x32xi32, #tpu.memory_space<vmem>> -> memref<1x32xi32, #tpu.memory_space<vmem>>
      %dma_wait3A_49 = tpu.memref_squeeze %dma_wait3A_48 : memref<1x32xi32, #tpu.memory_space<vmem>> -> memref<32xi32, #tpu.memory_space<vmem>>
      %dma_wait3A_50 = arith.constant 0 : i32
      %dma_wait3A_51 = arith.constant 0 : i32
      %dma_wait3A_52 = tpu.memref_slice %arg2[%dma_wait3A_50, %dma_wait3A_51] : memref<30522x768xf32, #tpu.memory_space<hbm>> -> memref<30522x768xf32, #tpu.memory_space<hbm>>
      tpu.wait_indirect_dma semaphore(%arg10 : memref<!tpu.dma_semaphore, #tpu.memory_space<semaphore_mem>>) src(%dma_wait3A_52 : memref<30522x768xf32, #tpu.memory_space<hbm>>) dst(%arg6 : memref<32x768xf32, #tpu.memory_space<vmem>>)
      %add3A_53 = arith.constant 6272 : i32
      %add3A_54 = arith.addi %mul3A_2, %add3A_53 : i32
      %dma_start3A_55 = arith.constant 0 : i32
      %dma_start3A_56 = tpu.memref_slice %arg4[%add3A_54, %dma_start3A_55] : memref<204800x768xf32, #tpu.memory_space<hbm>> -> memref<32x768xf32, #tpu.memory_space<hbm>>
      %dma_start3A_57 = arith.constant 0 : i32
      %dma_start3A_58 = tpu.memref_slice %arg4[%add3A_54, %dma_start3A_57] : memref<204800x768xf32, #tpu.memory_space<hbm>> -> memref<32x768xf32, #tpu.memory_space<hbm>>
      tpu.enqueue_dma source(%arg6 : memref<32x768xf32, #tpu.memory_space<vmem>>) target(%dma_start3A_58 : memref<32x768xf32, #tpu.memory_space<hbm>>) target_semaphore(%arg14 : memref<!tpu.dma_semaphore, #tpu.memory_space<semaphore_mem>>)
      %dma_wait3A_59 = arith.constant 197 : i32
      %dma_wait3A_60 = arith.constant 0 : i32
      %dma_wait3A_61 = tpu.memref_slice %arg5[%dma_wait3A_59, %dma_wait3A_60] : memref<200x32xi32, #tpu.memory_space<vmem>> -> memref<1x32xi32, #tpu.memory_space<vmem>>
      %dma_wait3A_62 = tpu.memref_squeeze %dma_wait3A_61 : memref<1x32xi32, #tpu.memory_space<vmem>> -> memref<32xi32, #tpu.memory_space<vmem>>
      %dma_wait3A_63 = arith.constant 0 : i32
      %dma_wait3A_64 = arith.constant 0 : i32
      %dma_wait3A_65 = tpu.memref_slice %arg2[%dma_wait3A_63, %dma_wait3A_64] : memref<30522x768xf32, #tpu.memory_space<hbm>> -> memref<30522x768xf32, #tpu.memory_space<hbm>>
      tpu.wait_indirect_dma semaphore(%arg11 : memref<!tpu.dma_semaphore, #tpu.memory_space<semaphore_mem>>) src(%dma_wait3A_65 : memref<30522x768xf32, #tpu.memory_space<hbm>>) dst(%arg7 : memref<32x768xf32, #tpu.memory_space<vmem>>)
      %add3A_66 = arith.constant 6304 : i32
      %add3A_67 = arith.addi %mul3A_2, %add3A_66 : i32
      %dma_start3A_68 = arith.constant 0 : i32
      %dma_start3A_69 = tpu.memref_slice %arg4[%add3A_67, %dma_start3A_68] : memref<204800x768xf32, #tpu.memory_space<hbm>> -> memref<32x768xf32, #tpu.memory_space<hbm>>
      %dma_start3A_70 = arith.constant 0 : i32
      %dma_start3A_71 = tpu.memref_slice %arg4[%add3A_67, %dma_start3A_70] : memref<204800x768xf32, #tpu.memory_space<hbm>> -> memref<32x768xf32, #tpu.memory_space<hbm>>
      tpu.enqueue_dma source(%arg7 : memref<32x768xf32, #tpu.memory_space<vmem>>) target(%dma_start3A_71 : memref<32x768xf32, #tpu.memory_space<hbm>>) target_semaphore(%arg15 : memref<!tpu.dma_semaphore, #tpu.memory_space<semaphore_mem>>)
      %dma_wait3A_72 = arith.constant 198 : i32
      %dma_wait3A_73 = arith.constant 0 : i32
      %dma_wait3A_74 = tpu.memref_slice %arg5[%dma_wait3A_72, %dma_wait3A_73] : memref<200x32xi32, #tpu.memory_space<vmem>> -> memref<1x32xi32, #tpu.memory_space<vmem>>
      %dma_wait3A_75 = tpu.memref_squeeze %dma_wait3A_74 : memref<1x32xi32, #tpu.memory_space<vmem>> -> memref<32xi32, #tpu.memory_space<vmem>>
      %dma_wait3A_76 = arith.constant 0 : i32
      %dma_wait3A_77 = arith.constant 0 : i32
      %dma_wait3A_78 = tpu.memref_slice %arg2[%dma_wait3A_76, %dma_wait3A_77] : memref<30522x768xf32, #tpu.memory_space<hbm>> -> memref<30522x768xf32, #tpu.memory_space<hbm>>
      tpu.wait_indirect_dma semaphore(%arg12 : memref<!tpu.dma_semaphore, #tpu.memory_space<semaphore_mem>>) src(%dma_wait3A_78 : memref<30522x768xf32, #tpu.memory_space<hbm>>) dst(%arg8 : memref<32x768xf32, #tpu.memory_space<vmem>>)
      %add3A_79 = arith.constant 6336 : i32
      %add3A_80 = arith.addi %mul3A_2, %add3A_79 : i32
      %dma_start3A_81 = arith.constant 0 : i32
      %dma_start3A_82 = tpu.memref_slice %arg4[%add3A_80, %dma_start3A_81] : memref<204800x768xf32, #tpu.memory_space<hbm>> -> memref<32x768xf32, #tpu.memory_space<hbm>>
      %dma_start3A_83 = arith.constant 0 : i32
      %dma_start3A_84 = tpu.memref_slice %arg4[%add3A_80, %dma_start3A_83] : memref<204800x768xf32, #tpu.memory_space<hbm>> -> memref<32x768xf32, #tpu.memory_space<hbm>>
      tpu.enqueue_dma source(%arg8 : memref<32x768xf32, #tpu.memory_space<vmem>>) target(%dma_start3A_84 : memref<32x768xf32, #tpu.memory_space<hbm>>) target_semaphore(%arg16 : memref<!tpu.dma_semaphore, #tpu.memory_space<semaphore_mem>>)
      %dma_wait3A_85 = arith.constant 199 : i32
      %dma_wait3A_86 = arith.constant 0 : i32
      %dma_wait3A_87 = tpu.memref_slice %arg5[%dma_wait3A_85, %dma_wait3A_86] : memref<200x32xi32, #tpu.memory_space<vmem>> -> memref<1x32xi32, #tpu.memory_space<vmem>>
      %dma_wait3A_88 = tpu.memref_squeeze %dma_wait3A_87 : memref<1x32xi32, #tpu.memory_space<vmem>> -> memref<32xi32, #tpu.memory_space<vmem>>
      %dma_wait3A_89 = arith.constant 0 : i32
      %dma_wait3A_90 = arith.constant 0 : i32
      %dma_wait3A_91 = tpu.memref_slice %arg2[%dma_wait3A_89, %dma_wait3A_90] : memref<30522x768xf32, #tpu.memory_space<hbm>> -> memref<30522x768xf32, #tpu.memory_space<hbm>>
      tpu.wait_indirect_dma semaphore(%arg13 : memref<!tpu.dma_semaphore, #tpu.memory_space<semaphore_mem>>) src(%dma_wait3A_91 : memref<30522x768xf32, #tpu.memory_space<hbm>>) dst(%arg9 : memref<32x768xf32, #tpu.memory_space<vmem>>)
      %add3A_92 = arith.constant 6368 : i32
      %add3A_93 = arith.addi %mul3A_2, %add3A_92 : i32
      %dma_start3A_94 = arith.constant 0 : i32
      %dma_start3A_95 = tpu.memref_slice %arg4[%add3A_93, %dma_start3A_94] : memref<204800x768xf32, #tpu.memory_space<hbm>> -> memref<32x768xf32, #tpu.memory_space<hbm>>
      %dma_start3A_96 = arith.constant 0 : i32
      %dma_start3A_97 = tpu.memref_slice %arg4[%add3A_93, %dma_start3A_96] : memref<204800x768xf32, #tpu.memory_space<hbm>> -> memref<32x768xf32, #tpu.memory_space<hbm>>
      tpu.enqueue_dma source(%arg9 : memref<32x768xf32, #tpu.memory_space<vmem>>) target(%dma_start3A_97 : memref<32x768xf32, #tpu.memory_space<hbm>>) target_semaphore(%arg17 : memref<!tpu.dma_semaphore, #tpu.memory_space<semaphore_mem>>)
      %add3A_98 = arith.constant 6272 : i32
      %add3A_99 = arith.addi %mul3A_2, %add3A_98 : i32
      %dma_wait3A_100 = arith.constant 0 : i32
      %dma_wait3A_101 = tpu.memref_slice %arg4[%add3A_99, %dma_wait3A_100] : memref<204800x768xf32, #tpu.memory_space<hbm>> -> memref<32x768xf32, #tpu.memory_space<hbm>>
      %dma_wait3A_102 = arith.constant 0 : i32
      %dma_wait3A_103 = tpu.memref_slice %arg4[%add3A_99, %dma_wait3A_102] : memref<204800x768xf32, #tpu.memory_space<hbm>> -> memref<32x768xf32, #tpu.memory_space<hbm>>
      tpu.wait_dma2 semaphore(%arg14 : memref<!tpu.dma_semaphore, #tpu.memory_space<semaphore_mem>>) src(%arg6 : memref<32x768xf32, #tpu.memory_space<vmem>>) dst(%dma_wait3A_103 : memref<32x768xf32, #tpu.memory_space<hbm>>)
      %add3A_104 = arith.constant 6304 : i32
      %add3A_105 = arith.addi %mul3A_2, %add3A_104 : i32
      %dma_wait3A_106 = arith.constant 0 : i32
      %dma_wait3A_107 = tpu.memref_slice %arg4[%add3A_105, %dma_wait3A_106] : memref<204800x768xf32, #tpu.memory_space<hbm>> -> memref<32x768xf32, #tpu.memory_space<hbm>>
      %dma_wait3A_108 = arith.constant 0 : i32
      %dma_wait3A_109 = tpu.memref_slice %arg4[%add3A_105, %dma_wait3A_108] : memref<204800x768xf32, #tpu.memory_space<hbm>> -> memref<32x768xf32, #tpu.memory_space<hbm>>
      tpu.wait_dma2 semaphore(%arg15 : memref<!tpu.dma_semaphore, #tpu.memory_space<semaphore_mem>>) src(%arg7 : memref<32x768xf32, #tpu.memory_space<vmem>>) dst(%dma_wait3A_109 : memref<32x768xf32, #tpu.memory_space<hbm>>)
      %add3A_110 = arith.constant 6336 : i32
      %add3A_111 = arith.addi %mul3A_2, %add3A_110 : i32
      %dma_wait3A_112 = arith.constant 0 : i32
      %dma_wait3A_113 = tpu.memref_slice %arg4[%add3A_111, %dma_wait3A_112] : memref<204800x768xf32, #tpu.memory_space<hbm>> -> memref<32x768xf32, #tpu.memory_space<hbm>>
      %dma_wait3A_114 = arith.constant 0 : i32
      %dma_wait3A_115 = tpu.memref_slice %arg4[%add3A_111, %dma_wait3A_114] : memref<204800x768xf32, #tpu.memory_space<hbm>> -> memref<32x768xf32, #tpu.memory_space<hbm>>
      tpu.wait_dma2 semaphore(%arg16 : memref<!tpu.dma_semaphore, #tpu.memory_space<semaphore_mem>>) src(%arg8 : memref<32x768xf32, #tpu.memory_space<vmem>>) dst(%dma_wait3A_115 : memref<32x768xf32, #tpu.memory_space<hbm>>)
      %add3A_116 = arith.constant 6368 : i32
      %add3A_117 = arith.addi %mul3A_2, %add3A_116 : i32
      %dma_wait3A_118 = arith.constant 0 : i32
      %dma_wait3A_119 = tpu.memref_slice %arg4[%add3A_117, %dma_wait3A_118] : memref<204800x768xf32, #tpu.memory_space<hbm>> -> memref<32x768xf32, #tpu.memory_space<hbm>>
      %dma_wait3A_120 = arith.constant 0 : i32
      %dma_wait3A_121 = tpu.memref_slice %arg4[%add3A_117, %dma_wait3A_120] : memref<204800x768xf32, #tpu.memory_space<hbm>> -> memref<32x768xf32, #tpu.memory_space<hbm>>
      tpu.wait_dma2 semaphore(%arg17 : memref<!tpu.dma_semaphore, #tpu.memory_space<semaphore_mem>>) src(%arg9 : memref<32x768xf32, #tpu.memory_space<vmem>>) dst(%dma_wait3A_121 : memref<32x768xf32, #tpu.memory_space<hbm>>)
    } else {
    }
    return
  }
}

</mosaic_0001>

<sc_bundles>
// kernel: kernel.3.cloned.1.call-start
scs
__scs_entry_jumppad:
0x0: {  	(pc) =	sbr.rel $0x88, $3  }
0x1: {  	(tag) =	ssettag $0x0;
	lr =	simm.s32 $0x1  }
0x2: {  	[smem:$0x3F9F] =	sst lr;
	_ =	strace $0xD0000000  }
0x3: {  	_ = 	snop  }
0x4: {  	_ = 	snop  }
0x5: {  	_ = 	snop  }
0x6: {  	_ = 	snop  }
0x7: {  	_ = 	snop  }
__scs_overlays_trampoline_lowered:
0x8: {  	[smem:$0x3FAE] =	sst s0  }
0x9: {  	[smem:$0x3FAF] =	sst s1  }
0xa: {  	[smem:$0x3FB0] =	sst s2  }
0xb: {  	[smem:$0x3FB1] =	sst s3  }
0xc: {  	[smem:$0x3FB2] =	sst s4  }
0xd: {  	[smem:$0x3FB3] =	sst s5  }
0xe: {  	[smem:$0x3FB4] =	sst s6  }
0xf: {  	[smem:$0x3FB5] =	sst s7  }
0x10: {  	[smem:$0x3FB6] =	sst s8  }
0x11: {  	[smem:$0x3FB7] =	sst s9;
	s0 =	simm.s32 @!p0 $0x0  }
0x12: {  	s1 =	sld [smem:$0x3F9D];
	s0 =	simm.s32 @p0 $0x1  }
0x13: {  	[smem:$0x3FB8] =	sst s0;
	s0 =	simm.s32 @!p1 $0x0  }
0x14: {  	s2 =	sld [smem:$0x3F9C];
	s0 =	simm.s32 @p1 $0x1  }
0x15: {  	[smem:$0x3FB9] =	sst s0;
	s0 =	simm.s32 @!p2 $0x0  }
0x16: {  	s3 =	sld [smem:$0x3FDB];
	s0 =	simm.s32 @p2 $0x1  }
0x17: {  	s4 =	simm.s32 $0x1BF5;
	[smem:$0x3FBB] =	sst s0  }
0x18: {  	s0 =	sld [smem:$0x3F9E];
	_ =	swait.ge [sflag:s4], $0x0  }
0x19: {  	s7 =	sld [smem:$0x3F9F]  }
0x1a: {  	s8 =	sadd.s32 $0xFFFFE003, lr  }
0x1b: {  	s9 =	sadd.s32 $0xFFFFFEF7, lr;
	s5 =	simm.s32 $0xFFFFFFFF;
	p2 =	slt.u32 s8, $0xFFFFF086  }
0x1c: {  	p1 =	slt.u32 s9, $0xF7A;
	s5 =	simm.s32 @!p2 $0x0  }
0x1d: {  	s5 =	simm.s32 @p1 $0x1;
	p0 =	seq.s32 s7, s2  }
0x1e: {  	s7 =	smul.u32 @!p0 $0xF7A, s2;
	p2 =	seq.s32 @!p0 s5, $0x0  }
0x1f: {  	s9 =	smul.u32 $0xF7A, s1;
	s8 =	simm.s32 @!p0 $0x1BF5;
	p2 =	por !p2, p0  }
0x20: {  	[sflag:s8] =	ssyncset.s32 @!p0 $0xFFFFF086;
	s6 =	sadd.s32 @!p0 s3, s7;
	s7 =	simm.s32 @!p0 $0x108  }
0x21: {  	s3 =	sadd.s32 s3, s9;
	s6 =	sadd.s32 @!p0 $0x88, s6;
	s7 =	simm.s32 @p2 $0x1082  }
0x22: {  	[simem:s7], [sflag:s8] =	dma.local @!p0 [hbm:s6], $0xF7A  }
0x23: {  	s9 =	sor.u32 $0xD0000000, s2;
	s6 =	simm.s32 $0x108;
	_ =	swait.ge @!p0 [sflag:s8], $0x0  }
0x24: {  	s3 =	sadd.s32 $0x88, s3;
	s6 =	simm.s32 @!p1 $0x1082;
	[sflag:s4] =	ssyncset.s32 $0xFFFFF086  }
0x25: {  	[simem:s6], [sflag:s4] =	dma.local [hbm:s3], $0xF7A  }
0x26: {  	[smem:$0x3F9F] =	sst s1;
	(tag) =	ssettag s2;
	_ =	strace s9  }
0x27: {  	s1 =	sld [smem:$0x3FAF]  }
0x28: {  	s2 =	sld [smem:$0x3FB0]  }
0x29: {  	s4 =	sld [smem:$0x3FB2]  }
0x2a: {  	p0 =	seq.s32 s5, $0x0;
	s5 =	sld [smem:$0x3FB3]  }
0x2b: {  	s6 =	sld [smem:$0x3FB4]  }
0x2c: {  	s7 =	sld [smem:$0x3FB5]  }
0x2d: {  	s3 =	simm.s32 $0x108;
	s8 =	sld [smem:$0x3FB6]  }
0x2e: {  	s3 =	simm.s32 @!p0 $0x1082;
	s9 =	sld [smem:$0x3FB7]  }
0x2f: {  	lr =	sadd.s32 s0, s3;
	s0 =	sld [smem:$0x3FAE]  }
0x30: {  	s3 =	sld [smem:$0x3FB1]  }
0x31: {  	[smem:$0x3FBA] =	sst s10  }
0x32: {  	s10 =	sld [smem:$0x3FB8];
	_ =	sdelay $0x3  }
0x33: {  	p0 =	seq.s32 s10, $0x1;
	s10 =	sld [smem:$0x3FBA];
	_ =	sdelay $0x3  }
0x34: {  	[smem:$0x3FBA] =	sst s10  }
0x35: {  	s10 =	sld [smem:$0x3FB9];
	_ =	sdelay $0x3  }
0x36: {  	p1 =	seq.s32 s10, $0x1;
	s10 =	sld [smem:$0x3FBA];
	_ =	sdelay $0x3  }
0x37: {  	[smem:$0x3FBA] =	sst s10  }
0x38: {  	s10 =	sld [smem:$0x3FBB]  }
0x39: {  	_ = 	snop;
	(pc) =	sbr.ind lr, $3  }
0x3a: {  	_ = 	snop  }
0x3b: {  	_ = 	snop  }
0x3c: {  	p2 =	seq.s32 s10, $0x1;
	s10 =	sld [smem:$0x3FBA]  }
0x3d: {  	_ =	shalt  }
0x3e: {  	_ =	shalt  }
0x3f: {  	_ =	shalt  }
0x40: {  	_ =	shalt  }
0x41: {  	_ =	shalt  }
0x42: {  	_ =	shalt  }
0x43: {  	_ =	shalt  }
0x44: {  	_ =	shalt  }
0x45: {  	_ =	shalt  }
0x46: {  	_ =	shalt  }
0x47: {  	_ =	shalt  }
0x48: {  	_ =	shalt  }
0x49: {  	_ =	shalt  }
0x4a: {  	_ =	shalt  }
0x4b: {  	_ =	shalt  }
0x4c: {  	_ =	shalt  }
0x4d: {  	_ =	shalt  }
0x4e: {  	_ =	shalt  }
0x4f: {  	_ =	shalt  }
0x50: {  	_ =	shalt  }
0x51: {  	_ =	shalt  }
0x52: {  	_ =	shalt  }
0x53: {  	_ =	shalt  }
0x54: {  	_ =	shalt  }
0x55: {  	_ =	shalt  }
0x56: {  	_ =	shalt  }
0x57: {  	_ =	shalt  }
0x58: {  	_ =	shalt  }
0x59: {  	_ =	shalt  }
0x5a: {  	_ =	shalt  }
0x5b: {  	_ =	shalt  }
0x5c: {  	_ =	shalt  }
0x5d: {  	_ =	shalt  }
0x5e: {  	_ =	shalt  }
0x5f: {  	_ =	shalt  }
0x60: {  	_ =	shalt  }
0x61: {  	_ =	shalt  }
0x62: {  	_ =	shalt  }
0x63: {  	_ =	shalt  }
0x64: {  	_ =	shalt  }
0x65: {  	_ =	shalt  }
0x66: {  	_ =	shalt  }
0x67: {  	_ =	shalt  }
0x68: {  	_ =	shalt  }
0x69: {  	_ =	shalt  }
0x6a: {  	_ =	shalt  }
0x6b: {  	_ =	shalt  }
0x6c: {  	_ =	shalt  }
0x6d: {  	_ =	shalt  }
0x6e: {  	_ =	shalt  }
0x6f: {  	_ =	shalt  }
0x70: {  	_ =	shalt  }
0x71: {  	_ =	shalt  }
0x72: {  	_ =	shalt  }
0x73: {  	_ =	shalt  }
0x74: {  	_ =	shalt  }
0x75: {  	_ =	shalt  }
0x76: {  	_ =	shalt  }
0x77: {  	_ =	shalt  }
0x78: {  	_ =	shalt  }
0x79: {  	_ =	shalt  }
0x7a: {  	_ =	shalt  }
0x7b: {  	_ =	shalt  }
0x7c: {  	_ =	shalt  }
0x7d: {  	_ =	shalt  }
0x7e: {  	_ =	shalt  }
0x7f: {  	_ =	shalt  }
0x80: {  	_ =	shalt  }
0x81: {  	_ =	shalt  }
0x82: {  	_ =	shalt  }
0x83: {  	_ =	shalt  }
0x84: {  	_ =	shalt  }
0x85: {  	_ =	shalt  }
0x86: {  	_ =	shalt  }
0x87: {  	_ =	shalt  }
.Lfunc_end0:
.L_simem_size_0:
called_computation_lowered:
.L_overlay_start_0:
0x88: {  	s2 =	sld [smem:$0x3FD9]  }
0x89: {  	s3 =	sld [smem:$0x3FFE];
	_ =	sdelay $0x1  }
0x8a: {  	s1 =	srdreg.scid  }
0x8b: {  	s0 =	sand.u32 $0x1, s1  }
0x8c: {  	s17 =	sshll.u32 s0, $0xA;
	s2 =	sadd.s32 s3, s2  }
0x8d: {  	s2 =	sadd.s32 s2, s17  }
0x8e: {  	[smem:$0x3FC6] =	sst s2  }
0x8f: {  	_ = 	snop  }
0x90: {  	s2 =	sld [smem:$0x3FC8]  }
0x91: {  	s18 =	sld [smem:$0x3FD0];
	(tm) =	ssettm $0x1  }
0x92: {  	s4 =	sld [smem:$0x3FFB];
	_ =	sdelay $0x3  }
0x93: {  	_ =	strace s4  }
0x94: {  	s4 =	sld [smem:$0x3FFC];
	_ =	sdelay $0x3  }
0x95: {  	_ =	strace s4  }
0x96: {  	s4 =	sld [smem:$0x3FFD];
	_ =	sdelay $0x3  }
0x97: {  	_ =	strace s4  }
0x98: {  	_ =	strace $0x8FFFFFFF  }
0x99: {  	s19 =	sld [smem:$0x3FDB];
	_ =	sdelay $0x1  }
0x9a: {  	s5 =	simm.s32 $_scs_section_size  }
0x9b: {  	s6 =	simm.s32 $_size__tile_overlayer_lowered;
	s7 =	simm.s32 $_tile_overlayer_lowered  }
0x9c: {  	s22 =	simm.s32 $0x1BFF;
	s21 =	sshll.u32 s7, $0x1;
	s4 =	sadd.s32 s5, s19  }
0x9d: {  	s8 =	simm.s32 $0x0;
	s20 =	sshll.u32 s6, $0x1;
	s6 =	sadd.s32 s21, s4  }
0x9e: {  	[timem:s8], [sflag:s22] =	dma.local [hbm:s6], s20  }
0x9f: {  	_ =	swait.ge [sflag:s22], s20  }
0xa0: {  	s5 =	ssub.s32 $0x0, s20;
	[sflag:s22] =	ssyncset.done $0x0  }
0xa1: {  	[sflag:s22] =	ssyncadd.s32 s5;
	_ =	sdelay $0x1  }
0xa2: {  	s23 =	simm.s32 $0x1B8B  }
0xa3: {  	_ =	swait.ge [sflag:s23], $0x1  }
0xa4: {  	[sflag:s23] =	ssyncset.done $0x0  }
0xa5: {  	s25 =	simm.s32 $0x1B8E;
	s24 =	sld [smem:$0x3FFE];
	[sflag:s23] =	ssyncadd.s32 $0xFFFFFFFF  }
0xa6: {  	s26 =	simm.s32 $execute0_lowered;
	[smem:$0x3FD2] =	sst s25  }
0xa7: {  	s6 =	sshll.u32 s26, $0x1;
	_ =	strace $0x80000046;
	[dreg:$0x1] =	wrdreg $0xFFFFFFFF  }
0xa8: {  	s28 =	simm.s32 $_size_execute0_lowered;
	s4 =	sadd.s32 s4, s6;
	[dreg:$0x0] =	wrdreg $0x0  }
0xa9: {  	s6 =	sshll.u32 s28, $0x1;
	[dreg:$0x2] =	wrdreg s4  }
0xaa: {  	[dreg:$0x3] =	wrdreg s6  }
0xab: {  	[dreg:$0x4] =	wrdreg $0xC0  }
0xac: {  	_ =	task [dreg:s8], $0x5FFFF  }
0xad: {  	[dreg:$0x1] =	wrdreg $0xFFFFFFFF  }
0xae: {  	[dreg:$0x0] =	wrdreg $0x60  }
0xaf: {  	[dreg:$0x2] =	wrdreg s2  }
0xb0: {  	[dreg:$0x3] =	wrdreg s24  }
0xb1: {  	[dreg:$0x4] =	wrdreg s18  }
0xb2: {  	[dreg:$0x5] =	wrdreg $0x9  }
0xb3: {  	_ =	task.clear_ibuf [dreg:s8], $0x6FFFF;
	_ =	strace $0x90000046  }
0xb4: {  	s29 =	simm.s32 $0x9;
	_ =	strace $0x80000048  }
0xb5: {  	_ =	swait.ge [sflag:s29], $0x1  }
0xb6: {  	[sflag:s29] =	ssyncadd.s32 $0xFFFFFFFF  }
0xb7: {  	_ =	strace $0x90000048  }
0xb8: {  	_ =	sfence  }
0xb9: {  	s30 =	sld [smem:$0x0];
	_ =	sdelay $0x2  }
0xba: {  	s31 =	sshll.u32 s1, $0xD;
	s1 =	sshrl.u32 s1, $0x2  }
0xbb: {  	s3 =	sand.u32 $0x4000, s31;
	s1 =	sadd.s32 s1, s30  }
0xbc: {  	s0 =	sor.u32 s3, s0;
	s1 =	sshll.u32 s1, $0x11  }
0xbd: {  	s0 =	sor.u32 s1, s0  }
0xbe: {  	s0 =	sadd.s32 $0x8F2B, s0  }
0xbf: {  	[sflag:s0] =	ssyncadd.remote.s32 $0x1  }
0xc0: {  	_ =	sfence.sel $0xFFFF  }
0xc1: {  	[dreg:$0x0] =	wrdreg $0xFFFFFFFF;
	(pc) =	sbr.abs _section_cstart, $3  }
0xc2: {  	[dreg:$0x1] =	wrdreg $0xFFFFFFFF  }
0xc3: {  	_ =	task.clear_ibuf [dreg:s8], $0x2FFFF;
	_ =	strace $0x9FFFFFFF  }
0xc4: {  	(tm) =	ssettm $0x7FFFFFFF  }
0xc5: {  	_ =	shalt  }
tec
execute0_lowered:
.L_overlay_start_1:
0x0: {  	(tag) =	ssettag $0x1  }
0x1: {  	s0 =	srdreg.scid  }
0x2: {  	s2 =	stileid.u32;
	s1 =	rddreg [dreg:$0x0]  }
0x3: {  	s4 =	rddreg [dreg:$0x1];
	s0 =	sand.u32 $0x1, s0;
	s2 =	sshll.u32 s2, $0x1  }
0x4: {  	s5 =	rddreg [dreg:$0x2];
	s3 =	simm.s32 $0x0;
	s2 =	sor.u32 s0, s2  }
0x5: {  	s15 =	simm.s32 $0x9;
	s9 =	simm.s32 $0x1;
	s6 =	smul.u32 $0x1900, s2  }
0x6: {  	s10 =	simm.s32 $0x4;
	s25 =	simm.s32 $0x2;
	s2 =	smul.u32 $0xC80, s2  }
0x7: {  	[smem:$0x7FF] =	sst s3;
	s7 =	ssub.s32 $0x2, s0;
	s6 =	sshrl.u32 s6, $0x3  }
0x8: {  	s26 =	sshrl.u32 s7, $0x1;
	s2 =	sadd.s32 s2, s4;
	s6 =	smul.u32 $0x300, s6  }
0x9: {  	_ =	strace $0x80000047;
	s4 =	ssub.s32 s7, s26;
	s12 =	sadd.s32 $0x400, s2  }
0xa: {  	s14 =	smax.u32 s4, $0x1;
	[dreg:$0x4] =	wrdreg s12;
	s28 =	sadd.s32 s5, s6  }
.Ltmp0:
0xb: {  	[dreg:$0x9] =	wrdreg s14;
	s29 =	sadd.s32 $0x93000, s28;
	(pc) =	sbr.rel .LBB2_1-.Ltmp0, $4  }
0xc: {  	s11 =	simm.s32 $0x3;
	s30 =	sadd.s32 $0x93C00, s28;
	[dreg:$0x5] =	wrdreg s29  }
0xd: {  	v2 =	vlaneseq.u32;
	p0 =	sne.s32 s0, $0x0;
	s31 =	sadd.s32 $0x94800, s28;
	[dreg:$0x6] =	wrdreg s30  }
0xe: {  	vm0 =	vmmov $0xffff;
	v1 =	vshrl.u32 v2, $0x3;
	s0 =	simm.s32 $0x0;
	s2 =	sadd.s32 $0x95400, s28;
	[dreg:$0x7] =	wrdreg s31  }
0xf: {  	v0 =	vand.u32 $0x7, v2;
	v2 =	vor.u32 $0x8, v2;
	v1 =	vmul.u32 $0x8, v1;
	s5 =	sadd.s32 $0x100, s1;
	s6 =	sadd.s32 $0x200, s1;
	[dreg:$0x8] =	wrdreg s2  }
.LBB2_5:
0x10: {  	s0 =	sadd.s32 $0x1, s0  }
0x11: {  	p1 =	sne.s32 s0, s14  }
.Ltmp1:
0x12: {  	_ = 	snop;
	(pc) =	sbr.rel @!p1 .LBB2_6-.Ltmp1, $1  }
0x13: {  	_ =	sdelay $0x3  }
.LBB2_1:
.Ltmp2:
0x14: {  	(pc) =	sbr.rel @p0 .LBB2_5-.Ltmp2, $4  }
0x15: {  	[tilespmem:s3], [sflag:$0x9] =	stream.linear.gather [hbm4b:s12+s3], $0x6400, $0x38;
	[tilespmem:$0x1E400] =	vst v63  }
0x16: {  	_ =	swait.ge [sflag:s15], $0x6400  }
0x17: {  	[sflag:s15] =	ssyncset.done $0x0  }
0x18: {  	[sflag:s15] =	ssyncadd.s32 $0xFFFF9C00  }
0x19: {  	v3 =	vld [tilespmem:$0x0];
	_ =	sdelay $0x4  }
0x1a: {  	v4 =	vshrl.u32 v3, $0x3  }
0x1b: {  	v4 =	vmul.u32 $0x30, v4  }
0x1c: {  	v3 =	vand.u32 $0x7, v3  }
0x1d: {  	v3 =	vor.u32 v3, v4  }
0x1e: {  	v4 =	vperm.xlane v3, v0;
	_ =	sdelay $0x1  }
0x1f: {  	v4 =	vadd.s32 v1, v4;
	_ =	sdelay $0x3  }
0x20: {  	[dreg:$0xa] =	wrdreg s0;
	s12 =	simm.s32 $0x0;
	s0 =	simm.s32 $0x6400;
	v3 =	vperm.xlane v3, v2  }
0x21: {  	[tilespmem:s0], [sflag:$0x1] =	stream.indirect_vreg.gather [hbm4b:s1+s12], $0x80, v4, vm0, $0xb8;
	[tilespmem:$0x1E400] =	vst v63  }
0x22: {  	s24 =	simm.s32 $0x6C00;
	v3 =	vadd.s32 v1, v3  }
0x23: {  	[tilespmem:s24], [sflag:$0x1] =	stream.indirect_vreg.gather [hbm4b:s5+s12], $0x80, v4, vm0, $0xb8;
	[tilespmem:$0x1E400] =	vst v63  }
0x24: {  	s26 =	simm.s32 $0x7400  }
0x25: {  	[tilespmem:s26], [sflag:$0x1] =	stream.indirect_vreg.gather [hbm4b:s6+s12], $0x80, v4, vm0, $0xb8;
	[tilespmem:$0x1E400] =	vst v63  }
0x26: {  	s13 =	simm.s32 $0x7C00  }
0x27: {  	[tilespmem:s13], [sflag:$0x1] =	stream.indirect_vreg.gather [hbm4b:s1+s12], $0x80, v3, vm0, $0xb8;
	[tilespmem:$0x1E400] =	vst v63  }
0x28: {  	s29 =	simm.s32 $0x8400  }
0x29: {  	[tilespmem:s29], [sflag:$0x1] =	stream.indirect_vreg.gather [hbm4b:s5+s12], $0x80, v3, vm0, $0xb8;
	[tilespmem:$0x1E400] =	vst v63  }
0x2a: {  	s14 =	simm.s32 $0x8C00  }
0x2b: {  	[tilespmem:s14], [sflag:$0x1] =	stream.indirect_vreg.gather [hbm4b:s6+s12], $0x80, v3, vm0, $0xb8;
	[tilespmem:$0x1E400] =	vst v63  }
0x2c: {  	v3 =	vld [tilespmem:$0x10];
	_ =	sdelay $0x4  }
0x2d: {  	v57 =	vshrl.u32 v3, $0x3  }
0x2e: {  	v4 =	vmul.u32 $0x30, v57  }
0x2f: {  	v3 =	vand.u32 $0x7, v3  }
0x30: {  	v3 =	vor.u32 v3, v4  }
0x31: {  	v4 =	vperm.xlane v3, v0;
	_ =	sdelay $0x1  }
0x32: {  	v4 =	vadd.s32 v1, v4;
	_ =	sdelay $0x3  }
0x33: {  	s15 =	simm.s32 $0x9400;
	v3 =	vperm.xlane v3, v2  }
0x34: {  	[tilespmem:s15], [sflag:$0x1] =	stream.indirect_vreg.gather [hbm4b:s1+s12], $0x80, v4, vm0, $0xb8;
	[tilespmem:$0x1E400] =	vst v63  }
0x35: {  	s2 =	simm.s32 $0x9C00;
	v3 =	vadd.s32 v1, v3  }
0x36: {  	[tilespmem:s2], [sflag:$0x1] =	stream.indirect_vreg.gather [hbm4b:s5+s12], $0x80, v4, vm0, $0xb8;
	[tilespmem:$0x1E400] =	vst v63  }
0x37: {  	s26 =	simm.s32 $0xA400  }
0x38: {  	[tilespmem:s26], [sflag:$0x1] =	stream.indirect_vreg.gather [hbm4b:s6+s12], $0x80, v4, vm0, $0xb8;
	[tilespmem:$0x1E400] =	vst v63  }
0x39: {  	s29 =	simm.s32 $0xAC00  }
0x3a: {  	[tilespmem:s29], [sflag:$0x1] =	stream.indirect_vreg.gather [hbm4b:s1+s12], $0x80, v3, vm0, $0xb8;
	[tilespmem:$0x1E400] =	vst v63  }
0x3b: {  	s2 =	simm.s32 $0xB400  }
0x3c: {  	[tilespmem:s2], [sflag:$0x1] =	stream.indirect_vreg.gather [hbm4b:s5+s12], $0x80, v3, vm0, $0xb8;
	[tilespmem:$0x1E400] =	vst v63  }
0x3d: {  	s13 =	simm.s32 $0xBC00  }
0x3e: {  	[tilespmem:s13], [sflag:$0x1] =	stream.indirect_vreg.gather [hbm4b:s6+s12], $0x80, v3, vm0, $0xb8;
	[tilespmem:$0x1E400] =	vst v63  }
0x3f: {  	v3 =	vld [tilespmem:$0x80];
	_ =	sdelay $0x4  }
0x40: {  	v58 =	vshrl.u32 v3, $0x3  }
0x41: {  	v4 =	vmul.u32 $0x30, v58  }
0x42: {  	v3 =	vand.u32 $0x7, v3  }
0x43: {  	v3 =	vor.u32 v3, v4  }
0x44: {  	v4 =	vperm.xlane v3, v0;
	_ =	sdelay $0x1  }
0x45: {  	v4 =	vadd.s32 v1, v4;
	_ =	sdelay $0x3  }
0x46: {  	s14 =	simm.s32 $0xC400;
	v3 =	vperm.xlane v3, v2  }
0x47: {  	[tilespmem:s14], [sflag:$0x2] =	stream.indirect_vreg.gather [hbm4b:s1+s12], $0x80, v4, vm0, $0xb8;
	[tilespmem:$0x1E400] =	vst v63  }
0x48: {  	s15 =	simm.s32 $0xCC00;
	v3 =	vadd.s32 v1, v3  }
0x49: {  	[tilespmem:s15], [sflag:$0x2] =	stream.indirect_vreg.gather [hbm4b:s5+s12], $0x80, v4, vm0, $0xb8;
	[tilespmem:$0x1E400] =	vst v63  }
0x4a: {  	s24 =	simm.s32 $0xD400  }
0x4b: {  	[tilespmem:s24], [sflag:$0x2] =	stream.indirect_vreg.gather [hbm4b:s6+s12], $0x80, v4, vm0, $0xb8;
	[tilespmem:$0x1E400] =	vst v63  }
0x4c: {  	s4 =	simm.s32 $0xDC00  }
0x4d: {  	[tilespmem:s4], [sflag:$0x2] =	stream.indirect_vreg.gather [hbm4b:s1+s12], $0x80, v3, vm0, $0xb8;
	[tilespmem:$0x1E400] =	vst v63  }
0x4e: {  	s7 =	simm.s32 $0xE400  }
0x4f: {  	[tilespmem:s7], [sflag:$0x2] =	stream.indirect_vreg.gather [hbm4b:s5+s12], $0x80, v3, vm0, $0xb8;
	[tilespmem:$0x1E400] =	vst v63  }
0x50: {  	s26 =	simm.s32 $0xEC00  }
0x51: {  	[tilespmem:s26], [sflag:$0x2] =	stream.indirect_vreg.gather [hbm4b:s6+s12], $0x80, v3, vm0, $0xb8;
	[tilespmem:$0x1E400] =	vst v63  }
0x52: {  	v3 =	vld [tilespmem:$0x90];
	_ =	sdelay $0x4  }
0x53: {  	v59 =	vshrl.u32 v3, $0x3  }
0x54: {  	v4 =	vmul.u32 $0x30, v59  }
0x55: {  	v3 =	vand.u32 $0x7, v3  }
0x56: {  	v3 =	vor.u32 v3, v4  }
0x57: {  	v4 =	vperm.xlane v3, v0;
	_ =	sdelay $0x1  }
0x58: {  	v4 =	vadd.s32 v1, v4;
	_ =	sdelay $0x3  }
0x59: {  	s29 =	simm.s32 $0xF400;
	v3 =	vperm.xlane v3, v2  }
0x5a: {  	[tilespmem:s29], [sflag:$0x2] =	stream.indirect_vreg.gather [hbm4b:s1+s12], $0x80, v4, vm0, $0xb8;
	[tilespmem:$0x1E400] =	vst v63  }
0x5b: {  	s2 =	simm.s32 $0xFC00;
	v3 =	vadd.s32 v1, v3  }
0x5c: {  	[tilespmem:s2], [sflag:$0x2] =	stream.indirect_vreg.gather [hbm4b:s5+s12], $0x80, v4, vm0, $0xb8;
	[tilespmem:$0x1E400] =	vst v63  }
0x5d: {  	s4 =	simm.s32 $0x10400  }
0x5e: {  	[tilespmem:s4], [sflag:$0x2] =	stream.indirect_vreg.gather [hbm4b:s6+s12], $0x80, v4, vm0, $0xb8;
	[tilespmem:$0x1E400] =	vst v63  }
0x5f: {  	s7 =	simm.s32 $0x10C00  }
0x60: {  	[tilespmem:s7], [sflag:$0x2] =	stream.indirect_vreg.gather [hbm4b:s1+s12], $0x80, v3, vm0, $0xb8;
	[tilespmem:$0x1E400] =	vst v63  }
0x61: {  	s13 =	simm.s32 $0x11400  }
0x62: {  	[tilespmem:s13], [sflag:$0x2] =	stream.indirect_vreg.gather [hbm4b:s5+s12], $0x80, v3, vm0, $0xb8;
	[tilespmem:$0x1E400] =	vst v63  }
0x63: {  	s14 =	simm.s32 $0x11C00  }
0x64: {  	[tilespmem:s14], [sflag:$0x2] =	stream.indirect_vreg.gather [hbm4b:s6+s12], $0x80, v3, vm0, $0xb8;
	[tilespmem:$0x1E400] =	vst v63  }
0x65: {  	v3 =	vld [tilespmem:$0x100];
	_ =	sdelay $0x4  }
0x66: {  	v60 =	vshrl.u32 v3, $0x3  }
0x67: {  	v4 =	vmul.u32 $0x30, v60  }
0x68: {  	v3 =	vand.u32 $0x7, v3  }
0x69: {  	v3 =	vor.u32 v3, v4  }
0x6a: {  	v4 =	vperm.xlane v3, v0;
	_ =	sdelay $0x1  }
0x6b: {  	v4 =	vadd.s32 v1, v4;
	_ =	sdelay $0x3  }
0x6c: {  	s15 =	simm.s32 $0x12400;
	v3 =	vperm.xlane v3, v2  }
0x6d: {  	[tilespmem:s15], [sflag:$0x3] =	stream.indirect_vreg.gather [hbm4b:s1+s12], $0x80, v4, vm0, $0xb8;
	[tilespmem:$0x1E400] =	vst v63  }
0x6e: {  	s24 =	simm.s32 $0x12C00;
	v3 =	vadd.s32 v1, v3  }
0x6f: {  	[tilespmem:s24], [sflag:$0x3] =	stream.indirect_vreg.gather [hbm4b:s5+s12], $0x80, v4, vm0, $0xb8;
	[tilespmem:$0x1E400] =	vst v63  }
0x70: {  	s26 =	simm.s32 $0x13400  }
0x71: {  	[tilespmem:s26], [sflag:$0x3] =	stream.indirect_vreg.gather [hbm4b:s6+s12], $0x80, v4, vm0, $0xb8;
	[tilespmem:$0x1E400] =	vst v63  }
0x72: {  	s29 =	simm.s32 $0x13C00  }
0x73: {  	[tilespmem:s29], [sflag:$0x3] =	stream.indirect_vreg.gather [hbm4b:s1+s12], $0x80, v3, vm0, $0xb8;
	[tilespmem:$0x1E400] =	vst v63  }
0x74: {  	s31 =	simm.s32 $0x14400  }
0x75: {  	[tilespmem:s31], [sflag:$0x3] =	stream.indirect_vreg.gather [hbm4b:s5+s12], $0x80, v3, vm0, $0xb8;
	[tilespmem:$0x1E400] =	vst v63  }
0x76: {  	s2 =	simm.s32 $0x14C00  }
0x77: {  	[tilespmem:s2], [sflag:$0x3] =	stream.indirect_vreg.gather [hbm4b:s6+s12], $0x80, v3, vm0, $0xb8;
	[tilespmem:$0x1E400] =	vst v63  }
0x78: {  	v3 =	vld [tilespmem:$0x110];
	_ =	sdelay $0x4  }
0x79: {  	v61 =	vshrl.u32 v3, $0x3  }
0x7a: {  	v4 =	vmul.u32 $0x30, v61  }
0x7b: {  	v3 =	vand.u32 $0x7, v3  }
0x7c: {  	v3 =	vor.u32 v3, v4  }
0x7d: {  	v4 =	vperm.xlane v3, v0;
	_ =	sdelay $0x1  }
0x7e: {  	v4 =	vadd.s32 v1, v4;
	_ =	sdelay $0x3  }
0x7f: {  	s28 =	simm.s32 $0x15400;
	v3 =	vperm.xlane v3, v2  }
0x80: {  	[tilespmem:s28], [sflag:$0x3] =	stream.indirect_vreg.gather [hbm4b:s1+s12], $0x80, v4, vm0, $0xb8;
	[tilespmem:$0x1E400] =	vst v63  }
0x81: {  	s4 =	simm.s32 $0x15C00;
	v3 =	vadd.s32 v1, v3  }
0x82: {  	[tilespmem:s4], [sflag:$0x3] =	stream.indirect_vreg.gather [hbm4b:s5+s12], $0x80, v4, vm0, $0xb8;
	[tilespmem:$0x1E400] =	vst v63  }
0x83: {  	s7 =	simm.s32 $0x16400  }
0x84: {  	[tilespmem:s7], [sflag:$0x3] =	stream.indirect_vreg.gather [hbm4b:s6+s12], $0x80, v4, vm0, $0xb8;
	[tilespmem:$0x1E400] =	vst v63  }
0x85: {  	s30 =	simm.s32 $0x16C00  }
0x86: {  	[tilespmem:s30], [sflag:$0x3] =	stream.indirect_vreg.gather [hbm4b:s1+s12], $0x80, v3, vm0, $0xb8;
	[tilespmem:$0x1E400] =	vst v63  }
0x87: {  	s13 =	simm.s32 $0x17400  }
0x88: {  	[tilespmem:s13], [sflag:$0x3] =	stream.indirect_vreg.gather [hbm4b:s5+s12], $0x80, v3, vm0, $0xb8;
	[tilespmem:$0x1E400] =	vst v63  }
0x89: {  	s23 =	simm.s32 $0x17C00  }
0x8a: {  	[tilespmem:s23], [sflag:$0x3] =	stream.indirect_vreg.gather [hbm4b:s6+s12], $0x80, v3, vm0, $0xb8;
	[tilespmem:$0x1E400] =	vst v63  }
0x8b: {  	v3 =	vld [tilespmem:$0x180];
	_ =	sdelay $0x4  }
0x8c: {  	v62 =	vshrl.u32 v3, $0x3  }
0x8d: {  	v4 =	vmul.u32 $0x30, v62  }
0x8e: {  	v3 =	vand.u32 $0x7, v3  }
0x8f: {  	v3 =	vor.u32 v3, v4  }
0x90: {  	v4 =	vperm.xlane v3, v0;
	_ =	sdelay $0x1  }
0x91: {  	v4 =	vadd.s32 v1, v4;
	_ =	sdelay $0x3  }
0x92: {  	s8 =	simm.s32 $0x18400;
	v3 =	vperm.xlane v3, v2  }
0x93: {  	[tilespmem:s8], [sflag:$0x4] =	stream.indirect_vreg.gather [hbm4b:s1+s12], $0x80, v4, vm0, $0xb8;
	[tilespmem:$0x1E400] =	vst v63  }
0x94: {  	s21 =	simm.s32 $0x18C00;
	v3 =	vadd.s32 v1, v3  }
0x95: {  	[tilespmem:s21], [sflag:$0x4] =	stream.indirect_vreg.gather [hbm4b:s5+s12], $0x80, v4, vm0, $0xb8;
	[tilespmem:$0x1E400] =	vst v63  }
0x96: {  	s17 =	simm.s32 $0x19400  }
0x97: {  	[tilespmem:s17], [sflag:$0x4] =	stream.indirect_vreg.gather [hbm4b:s6+s12], $0x80, v4, vm0, $0xb8;
	[tilespmem:$0x1E400] =	vst v63  }
0x98: {  	s16 =	simm.s32 $0x19C00  }
0x99: {  	[tilespmem:s16], [sflag:$0x4] =	stream.indirect_vreg.gather [hbm4b:s1+s12], $0x80, v3, vm0, $0xb8;
	[tilespmem:$0x1E400] =	vst v63  }
0x9a: {  	s18 =	simm.s32 $0x1A400  }
0x9b: {  	[tilespmem:s18], [sflag:$0x4] =	stream.indirect_vreg.gather [hbm4b:s5+s12], $0x80, v3, vm0, $0xb8;
	[tilespmem:$0x1E400] =	vst v63  }
0x9c: {  	s19 =	simm.s32 $0x1AC00  }
0x9d: {  	[tilespmem:s19], [sflag:$0x4] =	stream.indirect_vreg.gather [hbm4b:s6+s12], $0x80, v3, vm0, $0xb8;
	[tilespmem:$0x1E400] =	vst v63  }
0x9e: {  	v3 =	vld [tilespmem:$0x190];
	_ =	sdelay $0x4  }
0x9f: {  	v63 =	vshrl.u32 v3, $0x3  }
0xa0: {  	v4 =	vmul.u32 $0x30, v63  }
0xa1: {  	v3 =	vand.u32 $0x7, v3  }
0xa2: {  	v3 =	vor.u32 v3, v4  }
0xa3: {  	v4 =	vperm.xlane v3, v0;
	_ =	sdelay $0x1  }
0xa4: {  	v4 =	vadd.s32 v1, v4  }
0xa5: {  	s20 =	simm.s32 $0x1B400;
	s22 =	simm.s32 $0x1C400  }
0xa6: {  	s0 =	simm.s32 $0x17C00;
	s14 =	simm.s32 $0x1BC00;
	s15 =	simm.s32 $0x1CC00  }
0xa7: {  	s24 =	simm.s32 $0x18400;
	s26 =	simm.s32 $0x16400;
	s29 =	simm.s32 $0x1DC00  }
0xa8: {  	s31 =	simm.s32 $0x14C00;
	s2 =	simm.s32 $0x15400;
	s28 =	simm.s32 $0x15C00;
	v3 =	vperm.xlane v3, v2  }
0xa9: {  	[tilespmem:s20], [sflag:$0x4] =	stream.indirect_vreg.gather [hbm4b:s1+s12], $0x80, v4, vm0, $0xb8;
	[tilespmem:$0x1E400] =	vst v63  }
0xaa: {  	s4 =	simm.s32 $0x1D400;
	s7 =	simm.s32 $0x16C00;
	s30 =	simm.s32 $0x17400;
	v3 =	vadd.s32 v1, v3  }
0xab: {  	[tilespmem:s14], [sflag:$0x4] =	stream.indirect_vreg.gather [hbm4b:s5+s12], $0x80, v4, vm0, $0xb8;
	[tilespmem:$0x1E400] =	vst v63  }
0xac: {  	s13 =	simm.s32 $0x1C400;
	s23 =	simm.s32 $0x19400;
	s8 =	simm.s32 $0x18C00  }
0xad: {  	[tilespmem:s22], [sflag:$0x4] =	stream.indirect_vreg.gather [hbm4b:s6+s12], $0x80, v4, vm0, $0xb8;
	[tilespmem:$0x1E400] =	vst v63  }
0xae: {  	s21 =	simm.s32 $0x19C00;
	s17 =	simm.s32 $0x1A400;
	s16 =	simm.s32 $0x1D400  }
0xaf: {  	[tilespmem:s15], [sflag:$0x4] =	stream.indirect_vreg.gather [hbm4b:s1+s12], $0x80, v3, vm0, $0xb8;
	[tilespmem:$0x1E400] =	vst v63  }
0xb0: {  	s18 =	simm.s32 $0x1AC00;
	s19 =	simm.s32 $0x1B400;
	s20 =	simm.s32 $0x1BC00  }
0xb1: {  	[tilespmem:s16], [sflag:$0x4] =	stream.indirect_vreg.gather [hbm4b:s5+s12], $0x80, v3, vm0, $0xb8;
	[tilespmem:$0x1E400] =	vst v63  }
0xb2: {  	s14 =	simm.s32 $0x0;
	s22 =	simm.s32 $0x1CC00;
	s16 =	simm.s32 $0x1DC00  }
0xb3: {  	[tilespmem:s29], [sflag:$0x4] =	stream.indirect_vreg.gather [hbm4b:s6+s12], $0x80, v3, vm0, $0xb8;
	[tilespmem:$0x1E400] =	vst v63  }
.LBB2_3:
0xb4: {  	p1 =	slt.u32 s14, $0x31;
	s15 =	simm.s32 $0x4  }
0xb5: {  	s15 =	simm.s32 @!p1 $0xFFFFFF3C  }
0xb6: {  	_ =	swait.ge [sflag:s9], $0x6000;
	s15 =	sadd.s32 s12, s15  }
0xb7: {  	[sflag:s9] =	ssyncset.done $0x0;
	s15 =	sshll.u32 s15, $0x7  }
0xb8: {  	[sflag:s9] =	ssyncadd.s32 $0xFFFFA000;
	s15 =	sand.u32 $0x3FFFFF80, s15  }
0xb9: {  	v3 =	vld [tilespmem:s15+$0x0];
	_ =	sdelay $0x4  }
0xba: {  	v4 =	vshrl.u32 v3, $0x3  }
0xbb: {  	v4 =	vmul.u32 $0x30, v4  }
0xbc: {  	v3 =	vand.u32 $0x7, v3  }
0xbd: {  	v3 =	vor.u32 v3, v4  }
0xbe: {  	v4 =	vperm.xlane v3, v0;
	_ =	sdelay $0x1  }
0xbf: {  	v4 =	vadd.s32 v1, v4;
	_ =	sdelay $0x3  }
0xc0: {  	s29 =	simm.s32 $0x6400;
	v3 =	vperm.xlane v3, v2  }
0xc1: {  	[tilespmem:s29], [sflag:$0x1] =	stream.indirect_vreg.gather [hbm4b:s1+s3], $0x80, v4, vm0, $0xb8;
	[tilespmem:$0x1E400] =	vst v63  }
0xc2: {  	v3 =	vadd.s32 v1, v3;
	s29 =	simm.s32 $0x6C00  }
0xc3: {  	[tilespmem:s29], [sflag:$0x1] =	stream.indirect_vreg.gather [hbm4b:s5+s3], $0x80, v4, vm0, $0xb8;
	[tilespmem:$0x1E400] =	vst v63  }
0xc4: {  	s29 =	simm.s32 $0x7400  }
0xc5: {  	[tilespmem:s29], [sflag:$0x1] =	stream.indirect_vreg.gather [hbm4b:s6+s3], $0x80, v4, vm0, $0xb8;
	[tilespmem:$0x1E400] =	vst v63  }
0xc6: {  	s29 =	simm.s32 $0x7C00  }
0xc7: {  	[tilespmem:s29], [sflag:$0x1] =	stream.indirect_vreg.gather [hbm4b:s1+s3], $0x80, v3, vm0, $0xb8;
	[tilespmem:$0x1E400] =	vst v63  }
0xc8: {  	s29 =	simm.s32 $0x8400  }
0xc9: {  	[tilespmem:s29], [sflag:$0x1] =	stream.indirect_vreg.gather [hbm4b:s5+s3], $0x80, v3, vm0, $0xb8;
	[tilespmem:$0x1E400] =	vst v63  }
0xca: {  	s29 =	simm.s32 $0x8C00  }
0xcb: {  	[tilespmem:s29], [sflag:$0x1] =	stream.indirect_vreg.gather [hbm4b:s6+s3], $0x80, v3, vm0, $0xb8;
	[tilespmem:$0x1E400] =	vst v63  }
0xcc: {  	v3 =	vld [tilespmem:s15+$0x10];
	_ =	sdelay $0x4  }
0xcd: {  	v57 =	vshrl.u32 v3, $0x3  }
0xce: {  	v4 =	vmul.u32 $0x30, v57  }
0xcf: {  	v3 =	vand.u32 $0x7, v3  }
0xd0: {  	v3 =	vor.u32 v3, v4  }
0xd1: {  	v4 =	vperm.xlane v3, v0;
	_ =	sdelay $0x1  }
0xd2: {  	v4 =	vadd.s32 v1, v4;
	_ =	sdelay $0x3  }
0xd3: {  	s29 =	simm.s32 $0x9400;
	v3 =	vperm.xlane v3, v2  }
0xd4: {  	[tilespmem:s29], [sflag:$0x1] =	stream.indirect_vreg.gather [hbm4b:s1+s3], $0x80, v4, vm0, $0xb8;
	[tilespmem:$0x1E400] =	vst v63  }
0xd5: {  	v3 =	vadd.s32 v1, v3;
	s29 =	simm.s32 $0x9C00  }
0xd6: {  	[tilespmem:s29], [sflag:$0x1] =	stream.indirect_vreg.gather [hbm4b:s5+s3], $0x80, v4, vm0, $0xb8;
	[tilespmem:$0x1E400] =	vst v63  }
0xd7: {  	s29 =	simm.s32 $0xA400  }
0xd8: {  	[tilespmem:s29], [sflag:$0x1] =	stream.indirect_vreg.gather [hbm4b:s6+s3], $0x80, v4, vm0, $0xb8;
	[tilespmem:$0x1E400] =	vst v63  }
0xd9: {  	s29 =	simm.s32 $0xAC00  }
0xda: {  	[tilespmem:s29], [sflag:$0x1] =	stream.indirect_vreg.gather [hbm4b:s1+s3], $0x80, v3, vm0, $0xb8;
	[tilespmem:$0x1E400] =	vst v63  }
0xdb: {  	s15 =	simm.s32 $0x5;
	s29 =	simm.s32 $0xB400  }
0xdc: {  	[tilespmem:s29], [sflag:$0x1] =	stream.indirect_vreg.gather [hbm4b:s5+s3], $0x80, v3, vm0, $0xb8;
	[tilespmem:$0x1E400] =	vst v63  }
0xdd: {  	s15 =	simm.s32 @!p1 $0xFFFFFF3D;
	s29 =	simm.s32 $0xBC00  }
0xde: {  	[tilespmem:s29], [sflag:$0x1] =	stream.indirect_vreg.gather [hbm4b:s6+s3], $0x80, v3, vm0, $0xb8;
	[tilespmem:$0x1E400] =	vst v63  }
0xdf: {  	s15 =	sadd.s32 s12, s15;
	_ =	swait.ge [sflag:s25], $0x6000  }
0xe0: {  	s15 =	sshll.u32 s15, $0x7;
	[sflag:s25] =	ssyncset.done $0x0  }
0xe1: {  	s15 =	sand.u32 $0x3FFFFF80, s15;
	[sflag:s25] =	ssyncadd.s32 $0xFFFFA000  }
0xe2: {  	v3 =	vld [tilespmem:s15+$0x0];
	_ =	sdelay $0x4  }
0xe3: {  	v58 =	vshrl.u32 v3, $0x3  }
0xe4: {  	v4 =	vmul.u32 $0x30, v58  }
0xe5: {  	v3 =	vand.u32 $0x7, v3  }
0xe6: {  	v3 =	vor.u32 v3, v4  }
0xe7: {  	v4 =	vperm.xlane v3, v0;
	_ =	sdelay $0x1  }
0xe8: {  	v4 =	vadd.s32 v1, v4;
	_ =	sdelay $0x3  }
0xe9: {  	s29 =	simm.s32 $0xC400;
	v3 =	vperm.xlane v3, v2  }
0xea: {  	[tilespmem:s29], [sflag:$0x2] =	stream.indirect_vreg.gather [hbm4b:s1+s3], $0x80, v4, vm0, $0xb8;
	[tilespmem:$0x1E400] =	vst v63  }
0xeb: {  	v3 =	vadd.s32 v1, v3;
	s29 =	simm.s32 $0xCC00  }
0xec: {  	[tilespmem:s29], [sflag:$0x2] =	stream.indirect_vreg.gather [hbm4b:s5+s3], $0x80, v4, vm0, $0xb8;
	[tilespmem:$0x1E400] =	vst v63  }
0xed: {  	s29 =	simm.s32 $0xD400  }
0xee: {  	[tilespmem:s29], [sflag:$0x2] =	stream.indirect_vreg.gather [hbm4b:s6+s3], $0x80, v4, vm0, $0xb8;
	[tilespmem:$0x1E400] =	vst v63  }
0xef: {  	s29 =	simm.s32 $0xDC00  }
0xf0: {  	[tilespmem:s29], [sflag:$0x2] =	stream.indirect_vreg.gather [hbm4b:s1+s3], $0x80, v3, vm0, $0xb8;
	[tilespmem:$0x1E400] =	vst v63  }
0xf1: {  	s29 =	simm.s32 $0xE400  }
0xf2: {  	[tilespmem:s29], [sflag:$0x2] =	stream.indirect_vreg.gather [hbm4b:s5+s3], $0x80, v3, vm0, $0xb8;
	[tilespmem:$0x1E400] =	vst v63  }
0xf3: {  	s29 =	simm.s32 $0xEC00  }
0xf4: {  	[tilespmem:s29], [sflag:$0x2] =	stream.indirect_vreg.gather [hbm4b:s6+s3], $0x80, v3, vm0, $0xb8;
	[tilespmem:$0x1E400] =	vst v63  }
0xf5: {  	v3 =	vld [tilespmem:s15+$0x10];
	_ =	sdelay $0x4  }
0xf6: {  	v59 =	vshrl.u32 v3, $0x3  }
0xf7: {  	v4 =	vmul.u32 $0x30, v59  }
0xf8: {  	v3 =	vand.u32 $0x7, v3  }
0xf9: {  	v3 =	vor.u32 v3, v4  }
0xfa: {  	v4 =	vperm.xlane v3, v0;
	_ =	sdelay $0x1  }
0xfb: {  	v4 =	vadd.s32 v1, v4;
	_ =	sdelay $0x3  }
0xfc: {  	s29 =	simm.s32 $0xF400;
	v3 =	vperm.xlane v3, v2  }
0xfd: {  	[tilespmem:s29], [sflag:$0x2] =	stream.indirect_vreg.gather [hbm4b:s1+s3], $0x80, v4, vm0, $0xb8;
	[tilespmem:$0x1E400] =	vst v63  }
0xfe: {  	v3 =	vadd.s32 v1, v3;
	s29 =	simm.s32 $0xFC00  }
0xff: {  	[tilespmem:s29], [sflag:$0x2] =	stream.indirect_vreg.gather [hbm4b:s5+s3], $0x80, v4, vm0, $0xb8;
	[tilespmem:$0x1E400] =	vst v63  }
0x100: {  	s29 =	simm.s32 $0x10400  }
0x101: {  	[tilespmem:s29], [sflag:$0x2] =	stream.indirect_vreg.gather [hbm4b:s6+s3], $0x80, v4, vm0, $0xb8;
	[tilespmem:$0x1E400] =	vst v63  }
0x102: {  	s29 =	simm.s32 $0x10C00  }
0x103: {  	[tilespmem:s29], [sflag:$0x2] =	stream.indirect_vreg.gather [hbm4b:s1+s3], $0x80, v3, vm0, $0xb8;
	[tilespmem:$0x1E400] =	vst v63  }
0x104: {  	s15 =	simm.s32 $0x6;
	s29 =	simm.s32 $0x11400  }
0x105: {  	[tilespmem:s29], [sflag:$0x2] =	stream.indirect_vreg.gather [hbm4b:s5+s3], $0x80, v3, vm0, $0xb8;
	[tilespmem:$0x1E400] =	vst v63  }
0x106: {  	s15 =	simm.s32 @!p1 $0xFFFFFF3E;
	s29 =	simm.s32 $0x11C00  }
0x107: {  	[tilespmem:s29], [sflag:$0x2] =	stream.indirect_vreg.gather [hbm4b:s6+s3], $0x80, v3, vm0, $0xb8;
	[tilespmem:$0x1E400] =	vst v63  }
0x108: {  	s15 =	sadd.s32 s12, s15;
	_ =	swait.ge [sflag:s11], $0x6000  }
0x109: {  	s15 =	sshll.u32 s15, $0x7;
	[sflag:s11] =	ssyncset.done $0x0  }
0x10a: {  	s15 =	sand.u32 $0x3FFFFF80, s15;
	[sflag:s11] =	ssyncadd.s32 $0xFFFFA000  }
0x10b: {  	v3 =	vld [tilespmem:s15+$0x0];
	_ =	sdelay $0x4  }
0x10c: {  	v60 =	vshrl.u32 v3, $0x3  }
0x10d: {  	v4 =	vmul.u32 $0x30, v60  }
0x10e: {  	v3 =	vand.u32 $0x7, v3  }
0x10f: {  	v3 =	vor.u32 v3, v4  }
0x110: {  	v4 =	vperm.xlane v3, v0;
	_ =	sdelay $0x1  }
0x111: {  	v4 =	vadd.s32 v1, v4;
	_ =	sdelay $0x3  }
0x112: {  	s29 =	simm.s32 $0x12400;
	v3 =	vperm.xlane v3, v2  }
0x113: {  	[tilespmem:s29], [sflag:$0x3] =	stream.indirect_vreg.gather [hbm4b:s1+s3], $0x80, v4, vm0, $0xb8;
	[tilespmem:$0x1E400] =	vst v63  }
0x114: {  	v3 =	vadd.s32 v1, v3;
	s29 =	simm.s32 $0x12C00  }
0x115: {  	[tilespmem:s29], [sflag:$0x3] =	stream.indirect_vreg.gather [hbm4b:s5+s3], $0x80, v4, vm0, $0xb8;
	[tilespmem:$0x1E400] =	vst v63  }
0x116: {  	s29 =	simm.s32 $0x13400  }
0x117: {  	[tilespmem:s29], [sflag:$0x3] =	stream.indirect_vreg.gather [hbm4b:s6+s3], $0x80, v4, vm0, $0xb8;
	[tilespmem:$0x1E400] =	vst v63  }
0x118: {  	s29 =	simm.s32 $0x13C00  }
0x119: {  	[tilespmem:s29], [sflag:$0x3] =	stream.indirect_vreg.gather [hbm4b:s1+s3], $0x80, v3, vm0, $0xb8;
	[tilespmem:$0x1E400] =	vst v63  }
0x11a: {  	s29 =	simm.s32 $0x14400  }
0x11b: {  	[tilespmem:s29], [sflag:$0x3] =	stream.indirect_vreg.gather [hbm4b:s5+s3], $0x80, v3, vm0, $0xb8;
	[tilespmem:$0x1E400] =	vst v63  }
0x11c: {  	_ = 	snop  }
0x11d: {  	[tilespmem:s31], [sflag:$0x3] =	stream.indirect_vreg.gather [hbm4b:s6+s3], $0x80, v3, vm0, $0xb8;
	[tilespmem:$0x1E400] =	vst v63  }
0x11e: {  	v3 =	vld [tilespmem:s15+$0x10];
	_ =	sdelay $0x4  }
0x11f: {  	v61 =	vshrl.u32 v3, $0x3  }
0x120: {  	v4 =	vmul.u32 $0x30, v61  }
0x121: {  	v3 =	vand.u32 $0x7, v3  }
0x122: {  	v3 =	vor.u32 v3, v4  }
0x123: {  	v4 =	vperm.xlane v3, v0;
	_ =	sdelay $0x1  }
0x124: {  	v4 =	vadd.s32 v1, v4;
	_ =	sdelay $0x3  }
0x125: {  	v3 =	vperm.xlane v3, v2  }
0x126: {  	[tilespmem:s2], [sflag:$0x3] =	stream.indirect_vreg.gather [hbm4b:s1+s3], $0x80, v4, vm0, $0xb8;
	[tilespmem:$0x1E400] =	vst v63  }
0x127: {  	v3 =	vadd.s32 v1, v3  }
0x128: {  	[tilespmem:s28], [sflag:$0x3] =	stream.indirect_vreg.gather [hbm4b:s5+s3], $0x80, v4, vm0, $0xb8;
	[tilespmem:$0x1E400] =	vst v63  }
0x129: {  	_ = 	snop  }
0x12a: {  	[tilespmem:s26], [sflag:$0x3] =	stream.indirect_vreg.gather [hbm4b:s6+s3], $0x80, v4, vm0, $0xb8;
	[tilespmem:$0x1E400] =	vst v63  }
0x12b: {  	_ = 	snop  }
0x12c: {  	[tilespmem:s7], [sflag:$0x3] =	stream.indirect_vreg.gather [hbm4b:s1+s3], $0x80, v3, vm0, $0xb8;
	[tilespmem:$0x1E400] =	vst v63  }
0x12d: {  	s15 =	simm.s32 $0x7  }
0x12e: {  	[tilespmem:s30], [sflag:$0x3] =	stream.indirect_vreg.gather [hbm4b:s5+s3], $0x80, v3, vm0, $0xb8;
	[tilespmem:$0x1E400] =	vst v63  }
0x12f: {  	s15 =	simm.s32 @!p1 $0xFFFFFF3F  }
0x130: {  	[tilespmem:s0], [sflag:$0x3] =	stream.indirect_vreg.gather [hbm4b:s6+s3], $0x80, v3, vm0, $0xb8;
	[tilespmem:$0x1E400] =	vst v63  }
0x131: {  	s15 =	sadd.s32 s12, s15;
	_ =	swait.ge [sflag:s10], $0x6000  }
0x132: {  	s15 =	sshll.u32 s15, $0x7;
	[sflag:s10] =	ssyncset.done $0x0  }
0x133: {  	s15 =	sand.u32 $0x3FFFFF80, s15;
	[sflag:s10] =	ssyncadd.s32 $0xFFFFA000  }
0x134: {  	v3 =	vld [tilespmem:s15+$0x0];
	_ =	sdelay $0x4  }
0x135: {  	v62 =	vshrl.u32 v3, $0x3  }
0x136: {  	v4 =	vmul.u32 $0x30, v62  }
0x137: {  	v3 =	vand.u32 $0x7, v3  }
0x138: {  	v3 =	vor.u32 v3, v4  }
0x139: {  	v4 =	vperm.xlane v3, v0;
	_ =	sdelay $0x1  }
0x13a: {  	v4 =	vadd.s32 v1, v4;
	_ =	sdelay $0x3  }
0x13b: {  	v3 =	vperm.xlane v3, v2  }
0x13c: {  	[tilespmem:s24], [sflag:$0x4] =	stream.indirect_vreg.gather [hbm4b:s1+s3], $0x80, v4, vm0, $0xb8;
	[tilespmem:$0x1E400] =	vst v63  }
0x13d: {  	v3 =	vadd.s32 v1, v3  }
0x13e: {  	[tilespmem:s8], [sflag:$0x4] =	stream.indirect_vreg.gather [hbm4b:s5+s3], $0x80, v4, vm0, $0xb8;
	[tilespmem:$0x1E400] =	vst v63  }
0x13f: {  	_ = 	snop  }
0x140: {  	[tilespmem:s23], [sflag:$0x4] =	stream.indirect_vreg.gather [hbm4b:s6+s3], $0x80, v4, vm0, $0xb8;
	[tilespmem:$0x1E400] =	vst v63  }
0x141: {  	_ = 	snop  }
0x142: {  	[tilespmem:s21], [sflag:$0x4] =	stream.indirect_vreg.gather [hbm4b:s1+s3], $0x80, v3, vm0, $0xb8;
	[tilespmem:$0x1E400] =	vst v63  }
0x143: {  	_ = 	snop  }
0x144: {  	[tilespmem:s17], [sflag:$0x4] =	stream.indirect_vreg.gather [hbm4b:s5+s3], $0x80, v3, vm0, $0xb8;
	[tilespmem:$0x1E400] =	vst v63  }
0x145: {  	_ = 	snop  }
0x146: {  	[tilespmem:s18], [sflag:$0x4] =	stream.indirect_vreg.gather [hbm4b:s6+s3], $0x80, v3, vm0, $0xb8;
	[tilespmem:$0x1E400] =	vst v63  }
0x147: {  	v3 =	vld [tilespmem:s15+$0x10];
	_ =	sdelay $0x4  }
0x148: {  	v63 =	vshrl.u32 v3, $0x3  }
0x149: {  	v4 =	vmul.u32 $0x30, v63  }
0x14a: {  	v3 =	vand.u32 $0x7, v3  }
0x14b: {  	v3 =	vor.u32 v3, v4  }
0x14c: {  	v4 =	vperm.xlane v3, v0;
	_ =	sdelay $0x1  }
0x14d: {  	v4 =	vadd.s32 v1, v4;
	_ =	sdelay $0x3  }
0x14e: {  	v3 =	vperm.xlane v3, v2  }
0x14f: {  	[tilespmem:s19], [sflag:$0x4] =	stream.indirect_vreg.gather [hbm4b:s1+s3], $0x80, v4, vm0, $0xb8;
	[tilespmem:$0x1E400] =	vst v63  }
0x150: {  	v3 =	vadd.s32 v1, v3  }
0x151: {  	[tilespmem:s20], [sflag:$0x4] =	stream.indirect_vreg.gather [hbm4b:s5+s3], $0x80, v4, vm0, $0xb8;
	[tilespmem:$0x1E400] =	vst v63  }
0x152: {  	_ = 	snop  }
0x153: {  	[tilespmem:s13], [sflag:$0x4] =	stream.indirect_vreg.gather [hbm4b:s6+s3], $0x80, v4, vm0, $0xb8;
	[tilespmem:$0x1E400] =	vst v63  }
0x154: {  	p1 =	sne.s32 s14, $0x62  }
0x155: {  	[tilespmem:s22], [sflag:$0x4] =	stream.indirect_vreg.gather [hbm4b:s1+s3], $0x80, v3, vm0, $0xb8;
	[tilespmem:$0x1E400] =	vst v63  }
.Ltmp3:
0x156: {  	_ = 	snop;
	(pc) =	sbr.rel @p1 .LBB2_3-.Ltmp3, $4  }
0x157: {  	_ = 	snop  }
0x158: {  	[tilespmem:s4], [sflag:$0x4] =	stream.indirect_vreg.gather [hbm4b:s5+s3], $0x80, v3, vm0, $0xb8;
	[tilespmem:$0x1E400] =	vst v63  }
0x159: {  	s14 =	sadd.s32 $0x1, s14;
	s12 =	sadd.s32 $0x4, s12  }
0x15a: {  	[tilespmem:s16], [sflag:$0x4] =	stream.indirect_vreg.gather [hbm4b:s6+s3], $0x80, v3, vm0, $0xb8;
	[tilespmem:$0x1E400] =	vst v63  }
0x15b: {  	_ =	swait.ge [sflag:s9], $0x6000  }
0x15c: {  	[sflag:s9] =	ssyncset.done $0x0  }
0x15d: {  	s0 =	simm.s32 $0x6400;
	s12 =	rddreg [dreg:$0x5];
	[sflag:s9] =	ssyncadd.s32 $0xFFFFA000  }
0x15e: {  	[hbm4b:s12+s3] =	stream.linear.scatter [tilespmem:s0], [sflag:$0x5], $0x6000, $0x38;
	[tilespmem:$0x1E400] =	vst v63  }
0x15f: {  	_ =	swait.ge [sflag:s25], $0x6000  }
0x160: {  	[sflag:s25] =	ssyncset.done $0x0  }
0x161: {  	s21 =	simm.s32 $0xC400;
	s20 =	rddreg [dreg:$0x6];
	[sflag:s25] =	ssyncadd.s32 $0xFFFFA000  }
0x162: {  	[hbm4b:s20+s3] =	stream.linear.scatter [tilespmem:s21], [sflag:$0x6], $0x6000, $0x38;
	[tilespmem:$0x1E400] =	vst v63  }
0x163: {  	_ =	swait.ge [sflag:s11], $0x6000  }
0x164: {  	[sflag:s11] =	ssyncset.done $0x0  }
0x165: {  	s23 =	simm.s32 $0x12400;
	s22 =	rddreg [dreg:$0x7];
	[sflag:s11] =	ssyncadd.s32 $0xFFFFA000  }
0x166: {  	[hbm4b:s22+s3] =	stream.linear.scatter [tilespmem:s23], [sflag:$0x7], $0x6000, $0x38;
	[tilespmem:$0x1E400] =	vst v63  }
0x167: {  	_ =	swait.ge [sflag:s10], $0x6000  }
0x168: {  	[sflag:s10] =	ssyncset.done $0x0  }
0x169: {  	s28 =	simm.s32 $0x5;
	s26 =	rddreg [dreg:$0x8];
	[sflag:s10] =	ssyncadd.s32 $0xFFFFA000  }
0x16a: {  	[hbm4b:s26+s3] =	stream.linear.scatter [tilespmem:s24], [sflag:$0x8], $0x6000, $0x38;
	[tilespmem:$0x1E400] =	vst v63  }
0x16b: {  	_ =	swait.ge [sflag:s28], $0x6000  }
0x16c: {  	[sflag:s28] =	ssyncset.done $0x0  }
0x16d: {  	s29 =	simm.s32 $0x6;
	[sflag:s28] =	ssyncadd.s32 $0xFFFFA000  }
0x16e: {  	_ =	swait.ge [sflag:s29], $0x6000  }
0x16f: {  	[sflag:s29] =	ssyncset.done $0x0  }
0x170: {  	s30 =	simm.s32 $0x7;
	[sflag:s29] =	ssyncadd.s32 $0xFFFFA000  }
0x171: {  	_ =	swait.ge [sflag:s30], $0x6000  }
0x172: {  	[sflag:s30] =	ssyncset.done $0x0  }
.Ltmp4:
0x173: {  	s31 =	simm.s32 $0x8;
	[sflag:s30] =	ssyncadd.s32 $0xFFFFA000;
	(pc) =	sbr.rel .LBB2_5-.Ltmp4, $4  }
0x174: {  	_ =	swait.ge [sflag:s31], $0x6000  }
0x175: {  	s12 =	rddreg [dreg:$0x4]  }
0x176: {  	[sflag:s31] =	ssyncset.done $0x0;
	s14 =	rddreg [dreg:$0x9]  }
0x177: {  	s15 =	simm.s32 $0x9;
	s0 =	rddreg [dreg:$0xa];
	[sflag:s31] =	ssyncadd.s32 $0xFFFFA000  }
.LBB2_6:
0x178: {  	_ =	sfence.sel $0x180000  }
0x179: {  	[bflag:$0x0] =	sbarrier.arrive $0xFFFF  }
0x17a: {  	_ =	strace $0x90000047  }
0x17b: {  	s0 =	stileid.u32;
	[bflag:$0x2] =	sbarrier.arrive $0xFFFF  }
0x17c: {  	p0 =	sne.s32 s0, $0x0;
	s0 =	rddreg [dreg:$0x3]  }
0x17d: {  	s0 =	sadd.s32 @!p0 $0x100000, s0  }
0x17e: {  	[sflag:s0] =	ssyncadd.tile.s32 @!p0 $0x1;
	_ =	shalt  }
.Lfunc_end2:
_tile_overlayer_lowered:
.L_overlay_start_2:
0x17f: {  	(tag) =	ssettag $0x2  }
0x180: {  	s0 =	rddreg [dreg:$0x0];
	s2 =	stileid.u32  }
0x181: {  	s1 =	rddreg [dreg:$0x1];
	p0 =	sne.s32 s2, $0x0  }
0x182: {  	s3 =	rddreg [dreg:$0x2];
	[bflag:$0x3] =	sbarrier.arrive $0xFFFF;
	s2 =	simm.s32 @!p0 $0x1C09  }
0x183: {  	[timem:s3], [sflag:s2] =	dma.local @!p0 [hbm:s0], s1  }
0x184: {  	s0 =	simm.s32 @!p0 $0x9  }
0x185: {  	_ =	swait.ge @!p0 [sflag:s0], s1  }
0x186: {  	s1 =	ssub.s32 @!p0 $0x0, s1;
	[sflag:s0] =	ssyncset.done @!p0 $0x0  }
0x187: {  	[sflag:s0] =	ssyncadd.s32 @!p0 s1  }
0x188: {  	[bflag:$0x3] =	sbarrier.arrive $0xFFFF  }
0x189: {  	_ =	shalt  }

</sc_bundles>
